<compile_context>
chip_gen: v7x
topology: tpu7x:2x2x1
jax: 0.10.2.dev20260603
libtpu: 0.0.44.dev20260713+nightly
codegen_flags: <defaults>
</compile_context>

<pallas_src>
import functools

import jax
import jax.numpy as jnp
from jax import lax
from jax.experimental import pallas as pl
from jax.experimental.pallas import tpu as pltpu
from jax.experimental.pallas import tpu_sc as plsc

N_NODES = 100000
N_PAD = 100096
N_EDGES = 6400000
DP = 8

NC, NS = 2, 16
NW = NC * NS
E_PER_W = N_EDGES // NW
CHUNK = 4000
N_CHUNKS = E_PER_W // CHUNK
RING = 2
N_PER_TILE = N_PAD // NS

_mesh = plsc.VectorSubcoreMesh(core_axis_name="c", subcore_axis_name="s")


@functools.partial(
    pl.kernel,
    out_type=jax.ShapeDtypeStruct((NC, N_PAD, DP), jnp.float32),
    mesh=_mesh,
    scratch_types=[
        pltpu.VMEM((RING, CHUNK), jnp.int32),
        pltpu.VMEM((RING, CHUNK), jnp.int32),
        pltpu.VMEM((RING, CHUNK, DP), jnp.float32),
        pltpu.VMEM_SHARED((N_PAD, DP), jnp.float32),
        [pltpu.SemaphoreType.DMA] * RING,
        [pltpu.SemaphoreType.DMA] * RING,
    ],
    compiler_params=pltpu.CompilerParams(use_tc_tiling_on_sc=False),
)
def _sc_aggregate(xp_hbm, src_hbm, dst_hbm, zeros_hbm, out_hbm,
                  sidx_v, didx_v, rows_v, acc_sp, sem_i, sem_g):
    c = lax.axis_index("c")
    s = lax.axis_index("s")
    wid = s * NC + c
    row0 = s * N_PER_TILE
    pltpu.sync_copy(zeros_hbm.at[pl.ds(row0, N_PER_TILE)],
                    acc_sp.at[pl.ds(row0, N_PER_TILE)])
    plsc.subcore_barrier()

    base = wid * E_PER_W

    def issue_idx(i, b):
        off = base + i * CHUNK
        pltpu.async_copy(src_hbm.at[pl.ds(off, CHUNK)], sidx_v.at[b], sem_i[b])
        pltpu.async_copy(dst_hbm.at[pl.ds(off, CHUNK)], didx_v.at[b], sem_i[b])

    def wait_idx(i, b):
        off = base + i * CHUNK
        pltpu.make_async_copy(src_hbm.at[pl.ds(off, CHUNK)], sidx_v.at[b],
                              sem_i[b]).wait()
        pltpu.make_async_copy(dst_hbm.at[pl.ds(off, CHUNK)], didx_v.at[b],
                              sem_i[b]).wait()

    def issue_gather(b):
        pltpu.async_copy(xp_hbm.at[sidx_v.at[b]], rows_v.at[b], sem_g[b])

    def wait_gather(b):
        pltpu.make_async_copy(xp_hbm.at[pl.ds(0, CHUNK)], rows_v.at[b],
                              sem_g[b]).wait()

    def sync_scatter(b):
        pltpu.sync_copy(rows_v.at[b], acc_sp.at[didx_v.at[b]], add=True)

    issue_idx(0, 0)
    issue_idx(1, 1)
    wait_idx(0, 0)
    issue_gather(0)

    def body(g, carry):
        for r in range(RING):
            i = g * RING + r
            b = r % RING
            bn = (r + 1) % RING
            wait_gather(b)
            wait_idx(i + 1, bn)
            issue_gather(bn)
            sync_scatter(b)
            issue_idx(i + 2, b)
        return carry

    lax.fori_loop(0, (N_CHUNKS - 2) // RING, body, 0)
    wait_gather(0)
    wait_idx(N_CHUNKS - 1, 1)
    issue_gather(1)
    sync_scatter(0)
    wait_gather(1)
    sync_scatter(1)
    plsc.subcore_barrier()
    pltpu.sync_copy(acc_sp.at[pl.ds(row0, N_PER_TILE)],
                    out_hbm.at[c, pl.ds(row0, N_PER_TILE)])


G_TAIL = 17
B_TAIL = N_PAD * DP // G_TAIL


def _tc_finish(x_ref, a0_ref, a1_ref, w_ref, m_ref, o_ref):
    i = pl.program_id(0)
    xv = x_ref[...]
    av = a0_ref[...] + a1_ref[...]
    lane = lax.broadcasted_iota(jnp.int32, (B_TAIL,), 0) % 8
    sj = []
    for j in range(3):
        z = jnp.zeros((B_TAIL,), jnp.float32)
        for c in range(3):
            u = xv * w_ref[c, j] + av * m_ref[c, j]
            z = z + (jnp.roll(u, j - c) if j != c else u)
        h = jnp.maximum(z, 0.0)
        sj.append(jnp.sum(jnp.where(lane == j, h, 0.0)))
    pos = lax.broadcasted_iota(jnp.int32, (1, 3), 1)
    vec = jnp.where(pos == 0, sj[0], jnp.where(pos == 1, sj[1], sj[2]))

    @pl.when(i == 0)
    def _():
        o_ref[...] = jnp.zeros((1, 3), jnp.float32)

    o_ref[...] += vec

    @pl.when(i == G_TAIL - 1)
    def _():
        v = o_ref[...]
        e = jnp.exp(v - jnp.max(v))
        o_ref[...] = e / jnp.sum(e)


def kernel(x, edge_index, W, M):
    xp = jnp.pad(x, ((0, 0), (0, DP - x.shape[1])))
    src = edge_index[0]
    dst = edge_index[1]
    zeros = jnp.zeros((N_PAD, DP), jnp.float32)
    acc = _sc_aggregate(xp, src, dst, zeros)
    accf = acc.reshape(-1)
    xpkf = jnp.pad(x, ((0, N_PAD - N_NODES), (0, DP - 3))).reshape(-1)
    out = pl.pallas_call(
        _tc_finish,
        grid=(G_TAIL,),
        in_specs=[
            pl.BlockSpec((B_TAIL,), lambda i: (i,)),
            pl.BlockSpec((B_TAIL,), lambda i: (i,)),
            pl.BlockSpec((B_TAIL,), lambda i: (i + G_TAIL,)),
            pl.BlockSpec(memory_space=pltpu.SMEM),
            pl.BlockSpec(memory_space=pltpu.SMEM),
        ],
        out_specs=pl.BlockSpec((1, 3), lambda i: (0, 0)),
        out_shape=jax.ShapeDtypeStruct((1, 3), jnp.float32),
    )(xpkf, accf, accf, W, M)
    return out

# --- scband reference (transcript-rebuilt; emitter-appended) ---
"""Pipeline reference for scband-internal-graph-convolution-layer-63917703299187 (READ-ONLY COPY).

The authoritative reference and input builder live on the scoring server;
editing this copy changes nothing except your own understanding.
"""

import jax, jax.numpy as jnp
import numpy as np

N_NODES = 100000
N_EDGES = 6400000
D = 3  # node_representation_size hardcoded in the torch module


def setup_inputs(seed: int = 0) -> dict:
    key = jax.random.key(seed)
    k1, k2, k3, k4 = jax.random.split(key, 4)
    x = jax.random.normal(k1, (N_NODES, D), dtype=jnp.float32)
    edge_index = jax.random.randint(k2, (2, N_EDGES), 0, N_NODES, dtype=jnp.int32)
    W = jax.random.normal(k3, (D, D), dtype=jnp.float32)
    M = jax.random.normal(k4, (D, D), dtype=jnp.float32)
    return {"x": x, "edge_index": edge_index, "W": W, "M": M}


def reference(x, edge_index, W, M):
    # Vectorized form of the per-node loop:
    #   node.rep = relu(node.rep @ W + sum_{nbr} nbr.rep @ M)
    src = edge_index[0]
    dst = edge_index[1]
    msgs = jnp.take(x, src, axis=0) @ M                      # gather + small matmul
    agg = jax.ops.segment_sum(msgs, dst, num_segments=x.shape[0])  # scatter-add
    h = jax.nn.relu(x @ W + agg)
    # Global readout: sum of all node representations, then softmax
    s = jnp.sum(h, axis=0, keepdims=True)                    # [1, 3]
    return jax.nn.softmax(s, axis=-1)

if __name__ == "__main__":
    import jax
    _d = setup_inputs()
    print(jax.jit(kernel)(*tuple(_d.values())))

</pallas_src>

<mosaic_0001>
#map = affine_map<(d0, d1) -> (0, 0)>
#map1 = affine_map<(d0, d1) -> (0)>
#map2 = affine_map<(d0, d1) -> (0, 0, 0)>
module attributes {stable_mosaic.version = 14 : i64} {
  func.func @_sc_aggregate(%arg0: i32, %arg1: i32, %arg2: memref<100000x8xf32, #tpu.memory_space<hbm>>, %arg3: memref<6400000xi32, #tpu.memory_space<hbm>>, %arg4: memref<6400000xi32, #tpu.memory_space<hbm>>, %arg5: memref<100096x8xf32, #tpu.memory_space<hbm>>, %arg6: memref<2x100096x8xf32, #tpu.memory_space<hbm>>, %arg7: memref<2x4000xi32, #tpu.memory_space<vmem>>, %arg8: memref<2x4000xi32, #tpu.memory_space<vmem>>, %arg9: memref<2x4000x8xf32, #tpu.memory_space<vmem>>, %arg10: memref<100096x8xf32, #tpu.memory_space<vmem_shared>>, %arg11: memref<!tpu.dma_semaphore, #tpu.memory_space<semaphore_mem>>, %arg12: memref<!tpu.dma_semaphore, #tpu.memory_space<semaphore_mem>>, %arg13: memref<!tpu.dma_semaphore, #tpu.memory_space<semaphore_mem>>, %arg14: memref<!tpu.dma_semaphore, #tpu.memory_space<semaphore_mem>>) attributes {dimension_semantics = [#tpu.dimension_semantics<core_parallel>, #tpu.dimension_semantics<subcore_parallel>], iteration_bounds = array<i64: 2, 16>, scalar_prefetch = 0 : i64, scratch_operands = 8 : i64, tpu.core_type = #tpu.core_type<sc_vector_subcore>, window_params = [{transform_indices = #map}, {transform_indices = #map1}, {transform_indices = #map1}, {transform_indices = #map}, {transform_indices = #map2}]} {
    %mul3A = arith.constant 2 : i32
    %mul3A_0 = arith.muli %arg1, %mul3A : i32
    %add3A = arith.addi %mul3A_0, %arg0 : i32
    %mul3A_1 = arith.constant 6256 : i32
    %mul3A_2 = arith.muli %arg1, %mul3A_1 : i32
    "tpu.region"() ({
      %run_scoped3A_146 = tpu.sem_alloc : memref<!tpu.dma_semaphore, #tpu.memory_space<semaphore_mem>>
      %dma_start3A_147 = arith.constant 0 : i32
      %dma_start3A_148 = tpu.memref_slice %arg10[%mul3A_2, %dma_start3A_147] : memref<100096x8xf32, #tpu.memory_space<vmem_shared>> -> memref<6256x8xf32, #tpu.memory_space<vmem_shared>>
      %dma_start3A_149 = arith.constant 0 : i32
      %dma_start3A_150 = tpu.memref_slice %arg5[%mul3A_2, %dma_start3A_149] : memref<100096x8xf32, #tpu.memory_space<hbm>> -> memref<6256x8xf32, #tpu.memory_space<hbm>>
      tpu.enqueue_dma source(%dma_start3A_150 : memref<6256x8xf32, #tpu.memory_space<hbm>>) target(%dma_start3A_148 : memref<6256x8xf32, #tpu.memory_space<vmem_shared>>) target_semaphore(%run_scoped3A_146 : memref<!tpu.dma_semaphore, #tpu.memory_space<semaphore_mem>>)
      %dma_wait3A_151 = arith.constant 0 : i32
      %dma_wait3A_152 = tpu.memref_slice %arg10[%mul3A_2, %dma_wait3A_151] : memref<100096x8xf32, #tpu.memory_space<vmem_shared>> -> memref<6256x8xf32, #tpu.memory_space<vmem_shared>>
      %dma_wait3A_153 = arith.constant 0 : i32
      %dma_wait3A_154 = tpu.memref_slice %arg5[%mul3A_2, %dma_wait3A_153] : memref<100096x8xf32, #tpu.memory_space<hbm>> -> memref<6256x8xf32, #tpu.memory_space<hbm>>
      tpu.wait_dma2 semaphore(%run_scoped3A_146 : memref<!tpu.dma_semaphore, #tpu.memory_space<semaphore_mem>>) src(%dma_wait3A_154 : memref<6256x8xf32, #tpu.memory_space<hbm>>) dst(%dma_wait3A_152 : memref<6256x8xf32, #tpu.memory_space<vmem_shared>>)
      tpu.yield
    }) : () -> ()
    %barrier3A = arith.constant 0 : index
    tpu.barrier barrier_id(%barrier3A)
    %mul3A_3 = arith.constant 200000 : i32
    %mul3A_4 = arith.muli %add3A, %mul3A_3 : i32
    %add3A_5 = arith.constant 0 : i32
    %add3A_6 = arith.addi %mul3A_4, %add3A_5 : i32
    %dma_start3A = arith.constant 0 : i32
    %dma_start3A_7 = arith.constant 0 : i32
    %dma_start3A_8 = tpu.memref_slice %arg7[%dma_start3A, %dma_start3A_7] : memref<2x4000xi32, #tpu.memory_space<vmem>> -> memref<1x4000xi32, #tpu.memory_space<vmem>>
    %dma_start3A_9 = tpu.memref_squeeze %dma_start3A_8 : memref<1x4000xi32, #tpu.memory_space<vmem>> -> memref<4000xi32, #tpu.memory_space<vmem>>
    %dma_start3A_10 = tpu.memref_slice %arg3[%add3A_6] : memref<6400000xi32, #tpu.memory_space<hbm>> -> memref<4000xi32, #tpu.memory_space<hbm>>
    %dma_start3A_11 = arith.constant 0 : i32
    %dma_start3A_12 = tpu.memref_slice %arg7[%dma_start3A, %dma_start3A_11] : memref<2x4000xi32, #tpu.memory_space<vmem>> -> memref<1x4000xi32, #tpu.memory_space<vmem>>
    %dma_start3A_13 = tpu.memref_squeeze %dma_start3A_12 : memref<1x4000xi32, #tpu.memory_space<vmem>> -> memref<4000xi32, #tpu.memory_space<vmem>>
    %dma_start3A_14 = tpu.memref_slice %arg3[%add3A_6] : memref<6400000xi32, #tpu.memory_space<hbm>> -> memref<4000xi32, #tpu.memory_space<hbm>>
    tpu.enqueue_dma source(%dma_start3A_14 : memref<4000xi32, #tpu.memory_space<hbm>>) target(%dma_start3A_13 : memref<4000xi32, #tpu.memory_space<vmem>>) target_semaphore(%arg11 : memref<!tpu.dma_semaphore, #tpu.memory_space<semaphore_mem>>)
    %dma_start3A_15 = arith.constant 0 : i32
    %dma_start3A_16 = arith.constant 0 : i32
    %dma_start3A_17 = tpu.memref_slice %arg8[%dma_start3A_15, %dma_start3A_16] : memref<2x4000xi32, #tpu.memory_space<vmem>> -> memref<1x4000xi32, #tpu.memory_space<vmem>>
    %dma_start3A_18 = tpu.memref_squeeze %dma_start3A_17 : memref<1x4000xi32, #tpu.memory_space<vmem>> -> memref<4000xi32, #tpu.memory_space<vmem>>
    %dma_start3A_19 = tpu.memref_slice %arg4[%add3A_6] : memref<6400000xi32, #tpu.memory_space<hbm>> -> memref<4000xi32, #tpu.memory_space<hbm>>
    %dma_start3A_20 = arith.constant 0 : i32
    %dma_start3A_21 = tpu.memref_slice %arg8[%dma_start3A_15, %dma_start3A_20] : memref<2x4000xi32, #tpu.memory_space<vmem>> -> memref<1x4000xi32, #tpu.memory_space<vmem>>
    %dma_start3A_22 = tpu.memref_squeeze %dma_start3A_21 : memref<1x4000xi32, #tpu.memory_space<vmem>> -> memref<4000xi32, #tpu.memory_space<vmem>>
    %dma_start3A_23 = tpu.memref_slice %arg4[%add3A_6] : memref<6400000xi32, #tpu.memory_space<hbm>> -> memref<4000xi32, #tpu.memory_space<hbm>>
    tpu.enqueue_dma source(%dma_start3A_23 : memref<4000xi32, #tpu.memory_space<hbm>>) target(%dma_start3A_22 : memref<4000xi32, #tpu.memory_space<vmem>>) target_semaphore(%arg11 : memref<!tpu.dma_semaphore, #tpu.memory_space<semaphore_mem>>)
    %add3A_24 = arith.constant 4000 : i32
    %add3A_25 = arith.addi %mul3A_4, %add3A_24 : i32
    %dma_start3A_26 = arith.constant 1 : i32
    %dma_start3A_27 = arith.constant 0 : i32
    %dma_start3A_28 = tpu.memref_slice %arg7[%dma_start3A_26, %dma_start3A_27] : memref<2x4000xi32, #tpu.memory_space<vmem>> -> memref<1x4000xi32, #tpu.memory_space<vmem>>
    %dma_start3A_29 = tpu.memref_squeeze %dma_start3A_28 : memref<1x4000xi32, #tpu.memory_space<vmem>> -> memref<4000xi32, #tpu.memory_space<vmem>>
    %dma_start3A_30 = tpu.memref_slice %arg3[%add3A_25] : memref<6400000xi32, #tpu.memory_space<hbm>> -> memref<4000xi32, #tpu.memory_space<hbm>>
    %dma_start3A_31 = arith.constant 0 : i32
    %dma_start3A_32 = tpu.memref_slice %arg7[%dma_start3A_26, %dma_start3A_31] : memref<2x4000xi32, #tpu.memory_space<vmem>> -> memref<1x4000xi32, #tpu.memory_space<vmem>>
    %dma_start3A_33 = tpu.memref_squeeze %dma_start3A_32 : memref<1x4000xi32, #tpu.memory_space<vmem>> -> memref<4000xi32, #tpu.memory_space<vmem>>
    %dma_start3A_34 = tpu.memref_slice %arg3[%add3A_25] : memref<6400000xi32, #tpu.memory_space<hbm>> -> memref<4000xi32, #tpu.memory_space<hbm>>
    tpu.enqueue_dma source(%dma_start3A_34 : memref<4000xi32, #tpu.memory_space<hbm>>) target(%dma_start3A_33 : memref<4000xi32, #tpu.memory_space<vmem>>) target_semaphore(%arg12 : memref<!tpu.dma_semaphore, #tpu.memory_space<semaphore_mem>>)
    %dma_start3A_35 = arith.constant 1 : i32
    %dma_start3A_36 = arith.constant 0 : i32
    %dma_start3A_37 = tpu.memref_slice %arg8[%dma_start3A_35, %dma_start3A_36] : memref<2x4000xi32, #tpu.memory_space<vmem>> -> memref<1x4000xi32, #tpu.memory_space<vmem>>
    %dma_start3A_38 = tpu.memref_squeeze %dma_start3A_37 : memref<1x4000xi32, #tpu.memory_space<vmem>> -> memref<4000xi32, #tpu.memory_space<vmem>>
    %dma_start3A_39 = tpu.memref_slice %arg4[%add3A_25] : memref<6400000xi32, #tpu.memory_space<hbm>> -> memref<4000xi32, #tpu.memory_space<hbm>>
    %dma_start3A_40 = arith.constant 0 : i32
    %dma_start3A_41 = tpu.memref_slice %arg8[%dma_start3A_35, %dma_start3A_40] : memref<2x4000xi32, #tpu.memory_space<vmem>> -> memref<1x4000xi32, #tpu.memory_space<vmem>>
    %dma_start3A_42 = tpu.memref_squeeze %dma_start3A_41 : memref<1x4000xi32, #tpu.memory_space<vmem>> -> memref<4000xi32, #tpu.memory_space<vmem>>
    %dma_start3A_43 = tpu.memref_slice %arg4[%add3A_25] : memref<6400000xi32, #tpu.memory_space<hbm>> -> memref<4000xi32, #tpu.memory_space<hbm>>
    tpu.enqueue_dma source(%dma_start3A_43 : memref<4000xi32, #tpu.memory_space<hbm>>) target(%dma_start3A_42 : memref<4000xi32, #tpu.memory_space<vmem>>) target_semaphore(%arg12 : memref<!tpu.dma_semaphore, #tpu.memory_space<semaphore_mem>>)
    %add3A_44 = arith.constant 0 : i32
    %add3A_45 = arith.addi %mul3A_4, %add3A_44 : i32
    %dma_wait3A = arith.constant 0 : i32
    %dma_wait3A_46 = arith.constant 0 : i32
    %dma_wait3A_47 = tpu.memref_slice %arg7[%dma_wait3A, %dma_wait3A_46] : memref<2x4000xi32, #tpu.memory_space<vmem>> -> memref<1x4000xi32, #tpu.memory_space<vmem>>
    %dma_wait3A_48 = tpu.memref_squeeze %dma_wait3A_47 : memref<1x4000xi32, #tpu.memory_space<vmem>> -> memref<4000xi32, #tpu.memory_space<vmem>>
    %dma_wait3A_49 = tpu.memref_slice %arg3[%add3A_45] : memref<6400000xi32, #tpu.memory_space<hbm>> -> memref<4000xi32, #tpu.memory_space<hbm>>
    %dma_wait3A_50 = arith.constant 0 : i32
    %dma_wait3A_51 = tpu.memref_slice %arg7[%dma_wait3A, %dma_wait3A_50] : memref<2x4000xi32, #tpu.memory_space<vmem>> -> memref<1x4000xi32, #tpu.memory_space<vmem>>
    %dma_wait3A_52 = tpu.memref_squeeze %dma_wait3A_51 : memref<1x4000xi32, #tpu.memory_space<vmem>> -> memref<4000xi32, #tpu.memory_space<vmem>>
    %dma_wait3A_53 = tpu.memref_slice %arg3[%add3A_45] : memref<6400000xi32, #tpu.memory_space<hbm>> -> memref<4000xi32, #tpu.memory_space<hbm>>
    tpu.wait_dma2 semaphore(%arg11 : memref<!tpu.dma_semaphore, #tpu.memory_space<semaphore_mem>>) src(%dma_wait3A_53 : memref<4000xi32, #tpu.memory_space<hbm>>) dst(%dma_wait3A_52 : memref<4000xi32, #tpu.memory_space<vmem>>)
    %dma_wait3A_54 = arith.constant 0 : i32
    %dma_wait3A_55 = arith.constant 0 : i32
    %dma_wait3A_56 = tpu.memref_slice %arg8[%dma_wait3A_54, %dma_wait3A_55] : memref<2x4000xi32, #tpu.memory_space<vmem>> -> memref<1x4000xi32, #tpu.memory_space<vmem>>
    %dma_wait3A_57 = tpu.memref_squeeze %dma_wait3A_56 : memref<1x4000xi32, #tpu.memory_space<vmem>> -> memref<4000xi32, #tpu.memory_space<vmem>>
    %dma_wait3A_58 = tpu.memref_slice %arg4[%add3A_45] : memref<6400000xi32, #tpu.memory_space<hbm>> -> memref<4000xi32, #tpu.memory_space<hbm>>
    %dma_wait3A_59 = arith.constant 0 : i32
    %dma_wait3A_60 = tpu.memref_slice %arg8[%dma_wait3A_54, %dma_wait3A_59] : memref<2x4000xi32, #tpu.memory_space<vmem>> -> memref<1x4000xi32, #tpu.memory_space<vmem>>
    %dma_wait3A_61 = tpu.memref_squeeze %dma_wait3A_60 : memref<1x4000xi32, #tpu.memory_space<vmem>> -> memref<4000xi32, #tpu.memory_space<vmem>>
    %dma_wait3A_62 = tpu.memref_slice %arg4[%add3A_45] : memref<6400000xi32, #tpu.memory_space<hbm>> -> memref<4000xi32, #tpu.memory_space<hbm>>
    tpu.wait_dma2 semaphore(%arg11 : memref<!tpu.dma_semaphore, #tpu.memory_space<semaphore_mem>>) src(%dma_wait3A_62 : memref<4000xi32, #tpu.memory_space<hbm>>) dst(%dma_wait3A_61 : memref<4000xi32, #tpu.memory_space<vmem>>)
    %dma_start3A_63 = arith.constant 0 : i32
    %dma_start3A_64 = arith.constant 0 : i32
    %dma_start3A_65 = arith.constant 0 : i32
    %dma_start3A_66 = arith.constant 0 : i32
    %dma_start3A_67 = tpu.memref_slice %arg9[%dma_start3A_64, %dma_start3A_65, %dma_start3A_66] : memref<2x4000x8xf32, #tpu.memory_space<vmem>> -> memref<1x4000x8xf32, #tpu.memory_space<vmem>>
    %dma_start3A_68 = tpu.memref_squeeze %dma_start3A_67 : memref<1x4000x8xf32, #tpu.memory_space<vmem>> -> memref<4000x8xf32, #tpu.memory_space<vmem>>
    %dma_start3A_69 = arith.constant 0 : i32
    %dma_start3A_70 = tpu.memref_slice %arg7[%dma_start3A_63, %dma_start3A_69] : memref<2x4000xi32, #tpu.memory_space<vmem>> -> memref<1x4000xi32, #tpu.memory_space<vmem>>
    %dma_start3A_71 = tpu.memref_squeeze %dma_start3A_70 : memref<1x4000xi32, #tpu.memory_space<vmem>> -> memref<4000xi32, #tpu.memory_space<vmem>>
    %dma_start3A_72 = arith.constant 0 : i32
    %dma_start3A_73 = arith.constant 0 : i32
    %dma_start3A_74 = tpu.memref_slice %arg2[%dma_start3A_72, %dma_start3A_73] : memref<100000x8xf32, #tpu.memory_space<hbm>> -> memref<100000x8xf32, #tpu.memory_space<hbm>>
    tpu.enqueue_indirect_dma source(%dma_start3A_74 : memref<100000x8xf32, #tpu.memory_space<hbm>>) target(%dma_start3A_68 : memref<4000x8xf32, #tpu.memory_space<vmem>>) offsets(%dma_start3A_71 : memref<4000xi32, #tpu.memory_space<vmem>>) semaphore(%arg13 : memref<!tpu.dma_semaphore, #tpu.memory_space<semaphore_mem>>)
    %scan3A = arith.constant 0 : i32
    %scan3A_75 = arith.constant 0 : i32
    %scan3A_76 = arith.constant 24 : i32
    %scan3A_77 = arith.addi %scan3A_75, %scan3A_76 : i32
    %scan3A_78 = arith.constant 1 : i32
    scf.for %scan3A_146 = %scan3A_75 to %scan3A_77 step %scan3A_78  : i32 {
      %mul3A_147 = arith.constant 2 : i32
      %mul3A_148 = arith.muli %scan3A_146, %mul3A_147 : i32
      %add3A_149 = arith.constant 0 : i32
      %add3A_150 = arith.addi %mul3A_148, %add3A_149 : i32
      %dma_wait3A_151 = arith.constant 0 : i32
      %dma_wait3A_152 = arith.constant 0 : i32
      %dma_wait3A_153 = arith.constant 0 : i32
      %dma_wait3A_154 = tpu.memref_slice %arg9[%dma_wait3A_151, %dma_wait3A_152, %dma_wait3A_153] : memref<2x4000x8xf32, #tpu.memory_space<vmem>> -> memref<1x4000x8xf32, #tpu.memory_space<vmem>>
      %dma_wait3A_155 = tpu.memref_squeeze %dma_wait3A_154 : memref<1x4000x8xf32, #tpu.memory_space<vmem>> -> memref<4000x8xf32, #tpu.memory_space<vmem>>
      %dma_wait3A_156 = arith.constant 0 : i32
      %dma_wait3A_157 = arith.constant 0 : i32
      %dma_wait3A_158 = tpu.memref_slice %arg2[%dma_wait3A_156, %dma_wait3A_157] : memref<100000x8xf32, #tpu.memory_space<hbm>> -> memref<4000x8xf32, #tpu.memory_space<hbm>>
      %dma_wait3A_159 = arith.constant 0 : i32
      %dma_wait3A_160 = arith.constant 0 : i32
      %dma_wait3A_161 = tpu.memref_slice %arg9[%dma_wait3A_151, %dma_wait3A_159, %dma_wait3A_160] : memref<2x4000x8xf32, #tpu.memory_space<vmem>> -> memref<1x4000x8xf32, #tpu.memory_space<vmem>>
      %dma_wait3A_162 = tpu.memref_squeeze %dma_wait3A_161 : memref<1x4000x8xf32, #tpu.memory_space<vmem>> -> memref<4000x8xf32, #tpu.memory_space<vmem>>
      %dma_wait3A_163 = arith.constant 0 : i32
      %dma_wait3A_164 = arith.constant 0 : i32
      %dma_wait3A_165 = tpu.memref_slice %arg2[%dma_wait3A_163, %dma_wait3A_164] : memref<100000x8xf32, #tpu.memory_space<hbm>> -> memref<4000x8xf32, #tpu.memory_space<hbm>>
      tpu.wait_dma2 semaphore(%arg13 : memref<!tpu.dma_semaphore, #tpu.memory_space<semaphore_mem>>) src(%dma_wait3A_165 : memref<4000x8xf32, #tpu.memory_space<hbm>>) dst(%dma_wait3A_162 : memref<4000x8xf32, #tpu.memory_space<vmem>>)
      %add3A_166 = arith.constant 1 : i32
      %add3A_167 = arith.addi %add3A_150, %add3A_166 : i32
      %mul3A_168 = arith.constant 4000 : i32
      %mul3A_169 = arith.muli %add3A_167, %mul3A_168 : i32
      %add3A_170 = arith.addi %mul3A_4, %mul3A_169 : i32
      %dma_wait3A_171 = arith.constant 1 : i32
      %dma_wait3A_172 = arith.constant 0 : i32
      %dma_wait3A_173 = tpu.memref_slice %arg7[%dma_wait3A_171, %dma_wait3A_172] : memref<2x4000xi32, #tpu.memory_space<vmem>> -> memref<1x4000xi32, #tpu.memory_space<vmem>>
      %dma_wait3A_174 = tpu.memref_squeeze %dma_wait3A_173 : memref<1x4000xi32, #tpu.memory_space<vmem>> -> memref<4000xi32, #tpu.memory_space<vmem>>
      %dma_wait3A_175 = tpu.memref_slice %arg3[%add3A_170] : memref<6400000xi32, #tpu.memory_space<hbm>> -> memref<4000xi32, #tpu.memory_space<hbm>>
      %dma_wait3A_176 = arith.constant 0 : i32
      %dma_wait3A_177 = tpu.memref_slice %arg7[%dma_wait3A_171, %dma_wait3A_176] : memref<2x4000xi32, #tpu.memory_space<vmem>> -> memref<1x4000xi32, #tpu.memory_space<vmem>>
      %dma_wait3A_178 = tpu.memref_squeeze %dma_wait3A_177 : memref<1x4000xi32, #tpu.memory_space<vmem>> -> memref<4000xi32, #tpu.memory_space<vmem>>
      %dma_wait3A_179 = tpu.memref_slice %arg3[%add3A_170] : memref<6400000xi32, #tpu.memory_space<hbm>> -> memref<4000xi32, #tpu.memory_space<hbm>>
      tpu.wait_dma2 semaphore(%arg12 : memref<!tpu.dma_semaphore, #tpu.memory_space<semaphore_mem>>) src(%dma_wait3A_179 : memref<4000xi32, #tpu.memory_space<hbm>>) dst(%dma_wait3A_178 : memref<4000xi32, #tpu.memory_space<vmem>>)
      %dma_wait3A_180 = arith.constant 1 : i32
      %dma_wait3A_181 = arith.constant 0 : i32
      %dma_wait3A_182 = tpu.memref_slice %arg8[%dma_wait3A_180, %dma_wait3A_181] : memref<2x4000xi32, #tpu.memory_space<vmem>> -> memref<1x4000xi32, #tpu.memory_space<vmem>>
      %dma_wait3A_183 = tpu.memref_squeeze %dma_wait3A_182 : memref<1x4000xi32, #tpu.memory_space<vmem>> -> memref<4000xi32, #tpu.memory_space<vmem>>
      %dma_wait3A_184 = tpu.memref_slice %arg4[%add3A_170] : memref<6400000xi32, #tpu.memory_space<hbm>> -> memref<4000xi32, #tpu.memory_space<hbm>>
      %dma_wait3A_185 = arith.constant 0 : i32
      %dma_wait3A_186 = tpu.memref_slice %arg8[%dma_wait3A_180, %dma_wait3A_185] : memref<2x4000xi32, #tpu.memory_space<vmem>> -> memref<1x4000xi32, #tpu.memory_space<vmem>>
      %dma_wait3A_187 = tpu.memref_squeeze %dma_wait3A_186 : memref<1x4000xi32, #tpu.memory_space<vmem>> -> memref<4000xi32, #tpu.memory_space<vmem>>
      %dma_wait3A_188 = tpu.memref_slice %arg4[%add3A_170] : memref<6400000xi32, #tpu.memory_space<hbm>> -> memref<4000xi32, #tpu.memory_space<hbm>>
      tpu.wait_dma2 semaphore(%arg12 : memref<!tpu.dma_semaphore, #tpu.memory_space<semaphore_mem>>) src(%dma_wait3A_188 : memref<4000xi32, #tpu.memory_space<hbm>>) dst(%dma_wait3A_187 : memref<4000xi32, #tpu.memory_space<vmem>>)
      %dma_start3A_189 = arith.constant 1 : i32
      %dma_start3A_190 = arith.constant 1 : i32
      %dma_start3A_191 = arith.constant 0 : i32
      %dma_start3A_192 = arith.constant 0 : i32
      %dma_start3A_193 = tpu.memref_slice %arg9[%dma_start3A_190, %dma_start3A_191, %dma_start3A_192] : memref<2x4000x8xf32, #tpu.memory_space<vmem>> -> memref<1x4000x8xf32, #tpu.memory_space<vmem>>
      %dma_start3A_194 = tpu.memref_squeeze %dma_start3A_193 : memref<1x4000x8xf32, #tpu.memory_space<vmem>> -> memref<4000x8xf32, #tpu.memory_space<vmem>>
      %dma_start3A_195 = arith.constant 0 : i32
      %dma_start3A_196 = tpu.memref_slice %arg7[%dma_start3A_189, %dma_start3A_195] : memref<2x4000xi32, #tpu.memory_space<vmem>> -> memref<1x4000xi32, #tpu.memory_space<vmem>>
      %dma_start3A_197 = tpu.memref_squeeze %dma_start3A_196 : memref<1x4000xi32, #tpu.memory_space<vmem>> -> memref<4000xi32, #tpu.memory_space<vmem>>
      %dma_start3A_198 = arith.constant 0 : i32
      %dma_start3A_199 = arith.constant 0 : i32
      %dma_start3A_200 = tpu.memref_slice %arg2[%dma_start3A_198, %dma_start3A_199] : memref<100000x8xf32, #tpu.memory_space<hbm>> -> memref<100000x8xf32, #tpu.memory_space<hbm>>
      tpu.enqueue_indirect_dma source(%dma_start3A_200 : memref<100000x8xf32, #tpu.memory_space<hbm>>) target(%dma_start3A_194 : memref<4000x8xf32, #tpu.memory_space<vmem>>) offsets(%dma_start3A_197 : memref<4000xi32, #tpu.memory_space<vmem>>) semaphore(%arg14 : memref<!tpu.dma_semaphore, #tpu.memory_space<semaphore_mem>>)
      %run_scoped3A_201 = arith.constant 0 : i32
      %run_scoped3A_202 = arith.constant 0 : i32
      "tpu.region"() ({
        %run_scoped3A_305 = tpu.sem_alloc : memref<!tpu.dma_semaphore, #tpu.memory_space<semaphore_mem>>
        %dma_start3A_306 = arith.constant 0 : i32
        %dma_start3A_307 = arith.constant 0 : i32
        %dma_start3A_308 = tpu.memref_slice %arg9[%run_scoped3A_201, %dma_start3A_306, %dma_start3A_307] : memref<2x4000x8xf32, #tpu.memory_space<vmem>> -> memref<1x4000x8xf32, #tpu.memory_space<vmem>>
        %dma_start3A_309 = tpu.memref_squeeze %dma_start3A_308 : memref<1x4000x8xf32, #tpu.memory_space<vmem>> -> memref<4000x8xf32, #tpu.memory_space<vmem>>
        %dma_start3A_310 = arith.constant 0 : i32
        %dma_start3A_311 = tpu.memref_slice %arg8[%run_scoped3A_202, %dma_start3A_310] : memref<2x4000xi32, #tpu.memory_space<vmem>> -> memref<1x4000xi32, #tpu.memory_space<vmem>>
        %dma_start3A_312 = tpu.memref_squeeze %dma_start3A_311 : memref<1x4000xi32, #tpu.memory_space<vmem>> -> memref<4000xi32, #tpu.memory_space<vmem>>
        %dma_start3A_313 = arith.constant 0 : i32
        %dma_start3A_314 = arith.constant 0 : i32
        %dma_start3A_315 = tpu.memref_slice %arg10[%dma_start3A_313, %dma_start3A_314] : memref<100096x8xf32, #tpu.memory_space<vmem_shared>> -> memref<100096x8xf32, #tpu.memory_space<vmem_shared>>
        tpu.enqueue_indirect_dma source(%dma_start3A_309 : memref<4000x8xf32, #tpu.memory_space<vmem>>) target(%dma_start3A_315 : memref<100096x8xf32, #tpu.memory_space<vmem_shared>>) offsets(%dma_start3A_312 : memref<4000xi32, #tpu.memory_space<vmem>>) semaphore(%run_scoped3A_305 : memref<!tpu.dma_semaphore, #tpu.memory_space<semaphore_mem>>) {add = true}
        %dma_wait3A_316 = arith.constant 0 : i32
        %dma_wait3A_317 = arith.constant 0 : i32
        %dma_wait3A_318 = tpu.memref_slice %arg9[%run_scoped3A_201, %dma_wait3A_316, %dma_wait3A_317] : memref<2x4000x8xf32, #tpu.memory_space<vmem>> -> memref<1x4000x8xf32, #tpu.memory_space<vmem>>
        %dma_wait3A_319 = tpu.memref_squeeze %dma_wait3A_318 : memref<1x4000x8xf32, #tpu.memory_space<vmem>> -> memref<4000x8xf32, #tpu.memory_space<vmem>>
        %dma_wait3A_320 = arith.constant 0 : i32
        %dma_wait3A_321 = tpu.memref_slice %arg8[%run_scoped3A_202, %dma_wait3A_320] : memref<2x4000xi32, #tpu.memory_space<vmem>> -> memref<1x4000xi32, #tpu.memory_space<vmem>>
        %dma_wait3A_322 = tpu.memref_squeeze %dma_wait3A_321 : memref<1x4000xi32, #tpu.memory_space<vmem>> -> memref<4000xi32, #tpu.memory_space<vmem>>
        %dma_wait3A_323 = arith.constant 0 : i32
        %dma_wait3A_324 = arith.constant 0 : i32
        %dma_wait3A_325 = tpu.memref_slice %arg10[%dma_wait3A_323, %dma_wait3A_324] : memref<100096x8xf32, #tpu.memory_space<vmem_shared>> -> memref<100096x8xf32, #tpu.memory_space<vmem_shared>>
        tpu.wait_indirect_dma semaphore(%run_scoped3A_305 : memref<!tpu.dma_semaphore, #tpu.memory_space<semaphore_mem>>) src(%dma_wait3A_319 : memref<4000x8xf32, #tpu.memory_space<vmem>>) dst(%dma_wait3A_325 : memref<100096x8xf32, #tpu.memory_space<vmem_shared>>)
        tpu.yield
      }) : () -> ()
      %add3A_203 = arith.constant 2 : i32
      %add3A_204 = arith.addi %add3A_150, %add3A_203 : i32
      %mul3A_205 = arith.constant 4000 : i32
      %mul3A_206 = arith.muli %add3A_204, %mul3A_205 : i32
      %add3A_207 = arith.addi %mul3A_4, %mul3A_206 : i32
      %dma_start3A_208 = arith.constant 0 : i32
      %dma_start3A_209 = arith.constant 0 : i32
      %dma_start3A_210 = tpu.memref_slice %arg7[%dma_start3A_208, %dma_start3A_209] : memref<2x4000xi32, #tpu.memory_space<vmem>> -> memref<1x4000xi32, #tpu.memory_space<vmem>>
      %dma_start3A_211 = tpu.memref_squeeze %dma_start3A_210 : memref<1x4000xi32, #tpu.memory_space<vmem>> -> memref<4000xi32, #tpu.memory_space<vmem>>
      %dma_start3A_212 = tpu.memref_slice %arg3[%add3A_207] : memref<6400000xi32, #tpu.memory_space<hbm>> -> memref<4000xi32, #tpu.memory_space<hbm>>
      %dma_start3A_213 = arith.constant 0 : i32
      %dma_start3A_214 = tpu.memref_slice %arg7[%dma_start3A_208, %dma_start3A_213] : memref<2x4000xi32, #tpu.memory_space<vmem>> -> memref<1x4000xi32, #tpu.memory_space<vmem>>
      %dma_start3A_215 = tpu.memref_squeeze %dma_start3A_214 : memref<1x4000xi32, #tpu.memory_space<vmem>> -> memref<4000xi32, #tpu.memory_space<vmem>>
      %dma_start3A_216 = tpu.memref_slice %arg3[%add3A_207] : memref<6400000xi32, #tpu.memory_space<hbm>> -> memref<4000xi32, #tpu.memory_space<hbm>>
      tpu.enqueue_dma source(%dma_start3A_216 : memref<4000xi32, #tpu.memory_space<hbm>>) target(%dma_start3A_215 : memref<4000xi32, #tpu.memory_space<vmem>>) target_semaphore(%arg11 : memref<!tpu.dma_semaphore, #tpu.memory_space<semaphore_mem>>)
      %dma_start3A_217 = arith.constant 0 : i32
      %dma_start3A_218 = arith.constant 0 : i32
      %dma_start3A_219 = tpu.memref_slice %arg8[%dma_start3A_217, %dma_start3A_218] : memref<2x4000xi32, #tpu.memory_space<vmem>> -> memref<1x4000xi32, #tpu.memory_space<vmem>>
      %dma_start3A_220 = tpu.memref_squeeze %dma_start3A_219 : memref<1x4000xi32, #tpu.memory_space<vmem>> -> memref<4000xi32, #tpu.memory_space<vmem>>
      %dma_start3A_221 = tpu.memref_slice %arg4[%add3A_207] : memref<6400000xi32, #tpu.memory_space<hbm>> -> memref<4000xi32, #tpu.memory_space<hbm>>
      %dma_start3A_222 = arith.constant 0 : i32
      %dma_start3A_223 = tpu.memref_slice %arg8[%dma_start3A_217, %dma_start3A_222] : memref<2x4000xi32, #tpu.memory_space<vmem>> -> memref<1x4000xi32, #tpu.memory_space<vmem>>
      %dma_start3A_224 = tpu.memref_squeeze %dma_start3A_223 : memref<1x4000xi32, #tpu.memory_space<vmem>> -> memref<4000xi32, #tpu.memory_space<vmem>>
      %dma_start3A_225 = tpu.memref_slice %arg4[%add3A_207] : memref<6400000xi32, #tpu.memory_space<hbm>> -> memref<4000xi32, #tpu.memory_space<hbm>>
      tpu.enqueue_dma source(%dma_start3A_225 : memref<4000xi32, #tpu.memory_space<hbm>>) target(%dma_start3A_224 : memref<4000xi32, #tpu.memory_space<vmem>>) target_semaphore(%arg11 : memref<!tpu.dma_semaphore, #tpu.memory_space<semaphore_mem>>)
      %mul3A_226 = arith.constant 2 : i32
      %mul3A_227 = arith.muli %scan3A_146, %mul3A_226 : i32
      %add3A_228 = arith.constant 1 : i32
      %add3A_229 = arith.addi %mul3A_227, %add3A_228 : i32
      %dma_wait3A_230 = arith.constant 1 : i32
      %dma_wait3A_231 = arith.constant 0 : i32
      %dma_wait3A_232 = arith.constant 0 : i32
      %dma_wait3A_233 = tpu.memref_slice %arg9[%dma_wait3A_230, %dma_wait3A_231, %dma_wait3A_232] : memref<2x4000x8xf32, #tpu.memory_space<vmem>> -> memref<1x4000x8xf32, #tpu.memory_space<vmem>>
      %dma_wait3A_234 = tpu.memref_squeeze %dma_wait3A_233 : memref<1x4000x8xf32, #tpu.memory_space<vmem>> -> memref<4000x8xf32, #tpu.memory_space<vmem>>
      %dma_wait3A_235 = arith.constant 0 : i32
      %dma_wait3A_236 = arith.constant 0 : i32
      %dma_wait3A_237 = tpu.memref_slice %arg2[%dma_wait3A_235, %dma_wait3A_236] : memref<100000x8xf32, #tpu.memory_space<hbm>> -> memref<4000x8xf32, #tpu.memory_space<hbm>>
      %dma_wait3A_238 = arith.constant 0 : i32
      %dma_wait3A_239 = arith.constant 0 : i32
      %dma_wait3A_240 = tpu.memref_slice %arg9[%dma_wait3A_230, %dma_wait3A_238, %dma_wait3A_239] : memref<2x4000x8xf32, #tpu.memory_space<vmem>> -> memref<1x4000x8xf32, #tpu.memory_space<vmem>>
      %dma_wait3A_241 = tpu.memref_squeeze %dma_wait3A_240 : memref<1x4000x8xf32, #tpu.memory_space<vmem>> -> memref<4000x8xf32, #tpu.memory_space<vmem>>
      %dma_wait3A_242 = arith.constant 0 : i32
      %dma_wait3A_243 = arith.constant 0 : i32
      %dma_wait3A_244 = tpu.memref_slice %arg2[%dma_wait3A_242, %dma_wait3A_243] : memref<100000x8xf32, #tpu.memory_space<hbm>> -> memref<4000x8xf32, #tpu.memory_space<hbm>>
      tpu.wait_dma2 semaphore(%arg14 : memref<!tpu.dma_semaphore, #tpu.memory_space<semaphore_mem>>) src(%dma_wait3A_244 : memref<4000x8xf32, #tpu.memory_space<hbm>>) dst(%dma_wait3A_241 : memref<4000x8xf32, #tpu.memory_space<vmem>>)
      %add3A_245 = arith.constant 1 : i32
      %add3A_246 = arith.addi %add3A_229, %add3A_245 : i32
      %mul3A_247 = arith.constant 4000 : i32
      %mul3A_248 = arith.muli %add3A_246, %mul3A_247 : i32
      %add3A_249 = arith.addi %mul3A_4, %mul3A_248 : i32
      %dma_wait3A_250 = arith.constant 0 : i32
      %dma_wait3A_251 = arith.constant 0 : i32
      %dma_wait3A_252 = tpu.memref_slice %arg7[%dma_wait3A_250, %dma_wait3A_251] : memref<2x4000xi32, #tpu.memory_space<vmem>> -> memref<1x4000xi32, #tpu.memory_space<vmem>>
      %dma_wait3A_253 = tpu.memref_squeeze %dma_wait3A_252 : memref<1x4000xi32, #tpu.memory_space<vmem>> -> memref<4000xi32, #tpu.memory_space<vmem>>
      %dma_wait3A_254 = tpu.memref_slice %arg3[%add3A_249] : memref<6400000xi32, #tpu.memory_space<hbm>> -> memref<4000xi32, #tpu.memory_space<hbm>>
      %dma_wait3A_255 = arith.constant 0 : i32
      %dma_wait3A_256 = tpu.memref_slice %arg7[%dma_wait3A_250, %dma_wait3A_255] : memref<2x4000xi32, #tpu.memory_space<vmem>> -> memref<1x4000xi32, #tpu.memory_space<vmem>>
      %dma_wait3A_257 = tpu.memref_squeeze %dma_wait3A_256 : memref<1x4000xi32, #tpu.memory_space<vmem>> -> memref<4000xi32, #tpu.memory_space<vmem>>
      %dma_wait3A_258 = tpu.memref_slice %arg3[%add3A_249] : memref<6400000xi32, #tpu.memory_space<hbm>> -> memref<4000xi32, #tpu.memory_space<hbm>>
      tpu.wait_dma2 semaphore(%arg11 : memref<!tpu.dma_semaphore, #tpu.memory_space<semaphore_mem>>) src(%dma_wait3A_258 : memref<4000xi32, #tpu.memory_space<hbm>>) dst(%dma_wait3A_257 : memref<4000xi32, #tpu.memory_space<vmem>>)
      %dma_wait3A_259 = arith.constant 0 : i32
      %dma_wait3A_260 = arith.constant 0 : i32
      %dma_wait3A_261 = tpu.memref_slice %arg8[%dma_wait3A_259, %dma_wait3A_260] : memref<2x4000xi32, #tpu.memory_space<vmem>> -> memref<1x4000xi32, #tpu.memory_space<vmem>>
      %dma_wait3A_262 = tpu.memref_squeeze %dma_wait3A_261 : memref<1x4000xi32, #tpu.memory_space<vmem>> -> memref<4000xi32, #tpu.memory_space<vmem>>
      %dma_wait3A_263 = tpu.memref_slice %arg4[%add3A_249] : memref<6400000xi32, #tpu.memory_space<hbm>> -> memref<4000xi32, #tpu.memory_space<hbm>>
      %dma_wait3A_264 = arith.constant 0 : i32
      %dma_wait3A_265 = tpu.memref_slice %arg8[%dma_wait3A_259, %dma_wait3A_264] : memref<2x4000xi32, #tpu.memory_space<vmem>> -> memref<1x4000xi32, #tpu.memory_space<vmem>>
      %dma_wait3A_266 = tpu.memref_squeeze %dma_wait3A_265 : memref<1x4000xi32, #tpu.memory_space<vmem>> -> memref<4000xi32, #tpu.memory_space<vmem>>
      %dma_wait3A_267 = tpu.memref_slice %arg4[%add3A_249] : memref<6400000xi32, #tpu.memory_space<hbm>> -> memref<4000xi32, #tpu.memory_space<hbm>>
      tpu.wait_dma2 semaphore(%arg11 : memref<!tpu.dma_semaphore, #tpu.memory_space<semaphore_mem>>) src(%dma_wait3A_267 : memref<4000xi32, #tpu.memory_space<hbm>>) dst(%dma_wait3A_266 : memref<4000xi32, #tpu.memory_space<vmem>>)
      %dma_start3A_268 = arith.constant 0 : i32
      %dma_start3A_269 = arith.constant 0 : i32
      %dma_start3A_270 = arith.constant 0 : i32
      %dma_start3A_271 = arith.constant 0 : i32
      %dma_start3A_272 = tpu.memref_slice %arg9[%dma_start3A_269, %dma_start3A_270, %dma_start3A_271] : memref<2x4000x8xf32, #tpu.memory_space<vmem>> -> memref<1x4000x8xf32, #tpu.memory_space<vmem>>
      %dma_start3A_273 = tpu.memref_squeeze %dma_start3A_272 : memref<1x4000x8xf32, #tpu.memory_space<vmem>> -> memref<4000x8xf32, #tpu.memory_space<vmem>>
      %dma_start3A_274 = arith.constant 0 : i32
      %dma_start3A_275 = tpu.memref_slice %arg7[%dma_start3A_268, %dma_start3A_274] : memref<2x4000xi32, #tpu.memory_space<vmem>> -> memref<1x4000xi32, #tpu.memory_space<vmem>>
      %dma_start3A_276 = tpu.memref_squeeze %dma_start3A_275 : memref<1x4000xi32, #tpu.memory_space<vmem>> -> memref<4000xi32, #tpu.memory_space<vmem>>
      %dma_start3A_277 = arith.constant 0 : i32
      %dma_start3A_278 = arith.constant 0 : i32
      %dma_start3A_279 = tpu.memref_slice %arg2[%dma_start3A_277, %dma_start3A_278] : memref<100000x8xf32, #tpu.memory_space<hbm>> -> memref<100000x8xf32, #tpu.memory_space<hbm>>
      tpu.enqueue_indirect_dma source(%dma_start3A_279 : memref<100000x8xf32, #tpu.memory_space<hbm>>) target(%dma_start3A_273 : memref<4000x8xf32, #tpu.memory_space<vmem>>) offsets(%dma_start3A_276 : memref<4000xi32, #tpu.memory_space<vmem>>) semaphore(%arg13 : memref<!tpu.dma_semaphore, #tpu.memory_space<semaphore_mem>>)
      %run_scoped3A_280 = arith.constant 1 : i32
      %run_scoped3A_281 = arith.constant 1 : i32
      "tpu.region"() ({
        %run_scoped3A_305 = tpu.sem_alloc : memref<!tpu.dma_semaphore, #tpu.memory_space<semaphore_mem>>
        %dma_start3A_306 = arith.constant 0 : i32
        %dma_start3A_307 = arith.constant 0 : i32
        %dma_start3A_308 = tpu.memref_slice %arg9[%run_scoped3A_280, %dma_start3A_306, %dma_start3A_307] : memref<2x4000x8xf32, #tpu.memory_space<vmem>> -> memref<1x4000x8xf32, #tpu.memory_space<vmem>>
        %dma_start3A_309 = tpu.memref_squeeze %dma_start3A_308 : memref<1x4000x8xf32, #tpu.memory_space<vmem>> -> memref<4000x8xf32, #tpu.memory_space<vmem>>
        %dma_start3A_310 = arith.constant 0 : i32
        %dma_start3A_311 = tpu.memref_slice %arg8[%run_scoped3A_281, %dma_start3A_310] : memref<2x4000xi32, #tpu.memory_space<vmem>> -> memref<1x4000xi32, #tpu.memory_space<vmem>>
        %dma_start3A_312 = tpu.memref_squeeze %dma_start3A_311 : memref<1x4000xi32, #tpu.memory_space<vmem>> -> memref<4000xi32, #tpu.memory_space<vmem>>
        %dma_start3A_313 = arith.constant 0 : i32
        %dma_start3A_314 = arith.constant 0 : i32
        %dma_start3A_315 = tpu.memref_slice %arg10[%dma_start3A_313, %dma_start3A_314] : memref<100096x8xf32, #tpu.memory_space<vmem_shared>> -> memref<100096x8xf32, #tpu.memory_space<vmem_shared>>
        tpu.enqueue_indirect_dma source(%dma_start3A_309 : memref<4000x8xf32, #tpu.memory_space<vmem>>) target(%dma_start3A_315 : memref<100096x8xf32, #tpu.memory_space<vmem_shared>>) offsets(%dma_start3A_312 : memref<4000xi32, #tpu.memory_space<vmem>>) semaphore(%run_scoped3A_305 : memref<!tpu.dma_semaphore, #tpu.memory_space<semaphore_mem>>) {add = true}
        %dma_wait3A_316 = arith.constant 0 : i32
        %dma_wait3A_317 = arith.constant 0 : i32
        %dma_wait3A_318 = tpu.memref_slice %arg9[%run_scoped3A_280, %dma_wait3A_316, %dma_wait3A_317] : memref<2x4000x8xf32, #tpu.memory_space<vmem>> -> memref<1x4000x8xf32, #tpu.memory_space<vmem>>
        %dma_wait3A_319 = tpu.memref_squeeze %dma_wait3A_318 : memref<1x4000x8xf32, #tpu.memory_space<vmem>> -> memref<4000x8xf32, #tpu.memory_space<vmem>>
        %dma_wait3A_320 = arith.constant 0 : i32
        %dma_wait3A_321 = tpu.memref_slice %arg8[%run_scoped3A_281, %dma_wait3A_320] : memref<2x4000xi32, #tpu.memory_space<vmem>> -> memref<1x4000xi32, #tpu.memory_space<vmem>>
        %dma_wait3A_322 = tpu.memref_squeeze %dma_wait3A_321 : memref<1x4000xi32, #tpu.memory_space<vmem>> -> memref<4000xi32, #tpu.memory_space<vmem>>
        %dma_wait3A_323 = arith.constant 0 : i32
        %dma_wait3A_324 = arith.constant 0 : i32
        %dma_wait3A_325 = tpu.memref_slice %arg10[%dma_wait3A_323, %dma_wait3A_324] : memref<100096x8xf32, #tpu.memory_space<vmem_shared>> -> memref<100096x8xf32, #tpu.memory_space<vmem_shared>>
        tpu.wait_indirect_dma semaphore(%run_scoped3A_305 : memref<!tpu.dma_semaphore, #tpu.memory_space<semaphore_mem>>) src(%dma_wait3A_319 : memref<4000x8xf32, #tpu.memory_space<vmem>>) dst(%dma_wait3A_325 : memref<100096x8xf32, #tpu.memory_space<vmem_shared>>)
        tpu.yield
      }) : () -> ()
      %add3A_282 = arith.constant 2 : i32
      %add3A_283 = arith.addi %add3A_229, %add3A_282 : i32
      %mul3A_284 = arith.constant 4000 : i32
      %mul3A_285 = arith.muli %add3A_283, %mul3A_284 : i32
      %add3A_286 = arith.addi %mul3A_4, %mul3A_285 : i32
      %dma_start3A_287 = arith.constant 1 : i32
      %dma_start3A_288 = arith.constant 0 : i32
      %dma_start3A_289 = tpu.memref_slice %arg7[%dma_start3A_287, %dma_start3A_288] : memref<2x4000xi32, #tpu.memory_space<vmem>> -> memref<1x4000xi32, #tpu.memory_space<vmem>>
      %dma_start3A_290 = tpu.memref_squeeze %dma_start3A_289 : memref<1x4000xi32, #tpu.memory_space<vmem>> -> memref<4000xi32, #tpu.memory_space<vmem>>
      %dma_start3A_291 = tpu.memref_slice %arg3[%add3A_286] : memref<6400000xi32, #tpu.memory_space<hbm>> -> memref<4000xi32, #tpu.memory_space<hbm>>
      %dma_start3A_292 = arith.constant 0 : i32
      %dma_start3A_293 = tpu.memref_slice %arg7[%dma_start3A_287, %dma_start3A_292] : memref<2x4000xi32, #tpu.memory_space<vmem>> -> memref<1x4000xi32, #tpu.memory_space<vmem>>
      %dma_start3A_294 = tpu.memref_squeeze %dma_start3A_293 : memref<1x4000xi32, #tpu.memory_space<vmem>> -> memref<4000xi32, #tpu.memory_space<vmem>>
      %dma_start3A_295 = tpu.memref_slice %arg3[%add3A_286] : memref<6400000xi32, #tpu.memory_space<hbm>> -> memref<4000xi32, #tpu.memory_space<hbm>>
      tpu.enqueue_dma source(%dma_start3A_295 : memref<4000xi32, #tpu.memory_space<hbm>>) target(%dma_start3A_294 : memref<4000xi32, #tpu.memory_space<vmem>>) target_semaphore(%arg12 : memref<!tpu.dma_semaphore, #tpu.memory_space<semaphore_mem>>)
      %dma_start3A_296 = arith.constant 1 : i32
      %dma_start3A_297 = arith.constant 0 : i32
      %dma_start3A_298 = tpu.memref_slice %arg8[%dma_start3A_296, %dma_start3A_297] : memref<2x4000xi32, #tpu.memory_space<vmem>> -> memref<1x4000xi32, #tpu.memory_space<vmem>>
      %dma_start3A_299 = tpu.memref_squeeze %dma_start3A_298 : memref<1x4000xi32, #tpu.memory_space<vmem>> -> memref<4000xi32, #tpu.memory_space<vmem>>
      %dma_start3A_300 = tpu.memref_slice %arg4[%add3A_286] : memref<6400000xi32, #tpu.memory_space<hbm>> -> memref<4000xi32, #tpu.memory_space<hbm>>
      %dma_start3A_301 = arith.constant 0 : i32
      %dma_start3A_302 = tpu.memref_slice %arg8[%dma_start3A_296, %dma_start3A_301] : memref<2x4000xi32, #tpu.memory_space<vmem>> -> memref<1x4000xi32, #tpu.memory_space<vmem>>
      %dma_start3A_303 = tpu.memref_squeeze %dma_start3A_302 : memref<1x4000xi32, #tpu.memory_space<vmem>> -> memref<4000xi32, #tpu.memory_space<vmem>>
      %dma_start3A_304 = tpu.memref_slice %arg4[%add3A_286] : memref<6400000xi32, #tpu.memory_space<hbm>> -> memref<4000xi32, #tpu.memory_space<hbm>>
      tpu.enqueue_dma source(%dma_start3A_304 : memref<4000xi32, #tpu.memory_space<hbm>>) target(%dma_start3A_303 : memref<4000xi32, #tpu.memory_space<vmem>>) target_semaphore(%arg12 : memref<!tpu.dma_semaphore, #tpu.memory_space<semaphore_mem>>)
    }
    %scan3A_79 = arith.constant 24 : i32
    %dma_wait3A_80 = arith.constant 0 : i32
    %dma_wait3A_81 = arith.constant 0 : i32
    %dma_wait3A_82 = arith.constant 0 : i32
    %dma_wait3A_83 = tpu.memref_slice %arg9[%dma_wait3A_80, %dma_wait3A_81, %dma_wait3A_82] : memref<2x4000x8xf32, #tpu.memory_space<vmem>> -> memref<1x4000x8xf32, #tpu.memory_space<vmem>>
    %dma_wait3A_84 = tpu.memref_squeeze %dma_wait3A_83 : memref<1x4000x8xf32, #tpu.memory_space<vmem>> -> memref<4000x8xf32, #tpu.memory_space<vmem>>
    %dma_wait3A_85 = arith.constant 0 : i32
    %dma_wait3A_86 = arith.constant 0 : i32
    %dma_wait3A_87 = tpu.memref_slice %arg2[%dma_wait3A_85, %dma_wait3A_86] : memref<100000x8xf32, #tpu.memory_space<hbm>> -> memref<4000x8xf32, #tpu.memory_space<hbm>>
    %dma_wait3A_88 = arith.constant 0 : i32
    %dma_wait3A_89 = arith.constant 0 : i32
    %dma_wait3A_90 = tpu.memref_slice %arg9[%dma_wait3A_80, %dma_wait3A_88, %dma_wait3A_89] : memref<2x4000x8xf32, #tpu.memory_space<vmem>> -> memref<1x4000x8xf32, #tpu.memory_space<vmem>>
    %dma_wait3A_91 = tpu.memref_squeeze %dma_wait3A_90 : memref<1x4000x8xf32, #tpu.memory_space<vmem>> -> memref<4000x8xf32, #tpu.memory_space<vmem>>
    %dma_wait3A_92 = arith.constant 0 : i32
    %dma_wait3A_93 = arith.constant 0 : i32
    %dma_wait3A_94 = tpu.memref_slice %arg2[%dma_wait3A_92, %dma_wait3A_93] : memref<100000x8xf32, #tpu.memory_space<hbm>> -> memref<4000x8xf32, #tpu.memory_space<hbm>>
    tpu.wait_dma2 semaphore(%arg13 : memref<!tpu.dma_semaphore, #tpu.memory_space<semaphore_mem>>) src(%dma_wait3A_94 : memref<4000x8xf32, #tpu.memory_space<hbm>>) dst(%dma_wait3A_91 : memref<4000x8xf32, #tpu.memory_space<vmem>>)
    %add3A_95 = arith.constant 196000 : i32
    %add3A_96 = arith.addi %mul3A_4, %add3A_95 : i32
    %dma_wait3A_97 = arith.constant 1 : i32
    %dma_wait3A_98 = arith.constant 0 : i32
    %dma_wait3A_99 = tpu.memref_slice %arg7[%dma_wait3A_97, %dma_wait3A_98] : memref<2x4000xi32, #tpu.memory_space<vmem>> -> memref<1x4000xi32, #tpu.memory_space<vmem>>
    %dma_wait3A_100 = tpu.memref_squeeze %dma_wait3A_99 : memref<1x4000xi32, #tpu.memory_space<vmem>> -> memref<4000xi32, #tpu.memory_space<vmem>>
    %dma_wait3A_101 = tpu.memref_slice %arg3[%add3A_96] : memref<6400000xi32, #tpu.memory_space<hbm>> -> memref<4000xi32, #tpu.memory_space<hbm>>
    %dma_wait3A_102 = arith.constant 0 : i32
    %dma_wait3A_103 = tpu.memref_slice %arg7[%dma_wait3A_97, %dma_wait3A_102] : memref<2x4000xi32, #tpu.memory_space<vmem>> -> memref<1x4000xi32, #tpu.memory_space<vmem>>
    %dma_wait3A_104 = tpu.memref_squeeze %dma_wait3A_103 : memref<1x4000xi32, #tpu.memory_space<vmem>> -> memref<4000xi32, #tpu.memory_space<vmem>>
    %dma_wait3A_105 = tpu.memref_slice %arg3[%add3A_96] : memref<6400000xi32, #tpu.memory_space<hbm>> -> memref<4000xi32, #tpu.memory_space<hbm>>
    tpu.wait_dma2 semaphore(%arg12 : memref<!tpu.dma_semaphore, #tpu.memory_space<semaphore_mem>>) src(%dma_wait3A_105 : memref<4000xi32, #tpu.memory_space<hbm>>) dst(%dma_wait3A_104 : memref<4000xi32, #tpu.memory_space<vmem>>)
    %dma_wait3A_106 = arith.constant 1 : i32
    %dma_wait3A_107 = arith.constant 0 : i32
    %dma_wait3A_108 = tpu.memref_slice %arg8[%dma_wait3A_106, %dma_wait3A_107] : memref<2x4000xi32, #tpu.memory_space<vmem>> -> memref<1x4000xi32, #tpu.memory_space<vmem>>
    %dma_wait3A_109 = tpu.memref_squeeze %dma_wait3A_108 : memref<1x4000xi32, #tpu.memory_space<vmem>> -> memref<4000xi32, #tpu.memory_space<vmem>>
    %dma_wait3A_110 = tpu.memref_slice %arg4[%add3A_96] : memref<6400000xi32, #tpu.memory_space<hbm>> -> memref<4000xi32, #tpu.memory_space<hbm>>
    %dma_wait3A_111 = arith.constant 0 : i32
    %dma_wait3A_112 = tpu.memref_slice %arg8[%dma_wait3A_106, %dma_wait3A_111] : memref<2x4000xi32, #tpu.memory_space<vmem>> -> memref<1x4000xi32, #tpu.memory_space<vmem>>
    %dma_wait3A_113 = tpu.memref_squeeze %dma_wait3A_112 : memref<1x4000xi32, #tpu.memory_space<vmem>> -> memref<4000xi32, #tpu.memory_space<vmem>>
    %dma_wait3A_114 = tpu.memref_slice %arg4[%add3A_96] : memref<6400000xi32, #tpu.memory_space<hbm>> -> memref<4000xi32, #tpu.memory_space<hbm>>
    tpu.wait_dma2 semaphore(%arg12 : memref<!tpu.dma_semaphore, #tpu.memory_space<semaphore_mem>>) src(%dma_wait3A_114 : memref<4000xi32, #tpu.memory_space<hbm>>) dst(%dma_wait3A_113 : memref<4000xi32, #tpu.memory_space<vmem>>)
    %dma_start3A_115 = arith.constant 1 : i32
    %dma_start3A_116 = arith.constant 1 : i32
    %dma_start3A_117 = arith.constant 0 : i32
    %dma_start3A_118 = arith.constant 0 : i32
    %dma_start3A_119 = tpu.memref_slice %arg9[%dma_start3A_116, %dma_start3A_117, %dma_start3A_118] : memref<2x4000x8xf32, #tpu.memory_space<vmem>> -> memref<1x4000x8xf32, #tpu.memory_space<vmem>>
    %dma_start3A_120 = tpu.memref_squeeze %dma_start3A_119 : memref<1x4000x8xf32, #tpu.memory_space<vmem>> -> memref<4000x8xf32, #tpu.memory_space<vmem>>
    %dma_start3A_121 = arith.constant 0 : i32
    %dma_start3A_122 = tpu.memref_slice %arg7[%dma_start3A_115, %dma_start3A_121] : memref<2x4000xi32, #tpu.memory_space<vmem>> -> memref<1x4000xi32, #tpu.memory_space<vmem>>
    %dma_start3A_123 = tpu.memref_squeeze %dma_start3A_122 : memref<1x4000xi32, #tpu.memory_space<vmem>> -> memref<4000xi32, #tpu.memory_space<vmem>>
    %dma_start3A_124 = arith.constant 0 : i32
    %dma_start3A_125 = arith.constant 0 : i32
    %dma_start3A_126 = tpu.memref_slice %arg2[%dma_start3A_124, %dma_start3A_125] : memref<100000x8xf32, #tpu.memory_space<hbm>> -> memref<100000x8xf32, #tpu.memory_space<hbm>>
    tpu.enqueue_indirect_dma source(%dma_start3A_126 : memref<100000x8xf32, #tpu.memory_space<hbm>>) target(%dma_start3A_120 : memref<4000x8xf32, #tpu.memory_space<vmem>>) offsets(%dma_start3A_123 : memref<4000xi32, #tpu.memory_space<vmem>>) semaphore(%arg14 : memref<!tpu.dma_semaphore, #tpu.memory_space<semaphore_mem>>)
    %run_scoped3A = arith.constant 0 : i32
    %run_scoped3A_127 = arith.constant 0 : i32
    "tpu.region"() ({
      %run_scoped3A_146 = tpu.sem_alloc : memref<!tpu.dma_semaphore, #tpu.memory_space<semaphore_mem>>
      %dma_start3A_147 = arith.constant 0 : i32
      %dma_start3A_148 = arith.constant 0 : i32
      %dma_start3A_149 = tpu.memref_slice %arg9[%run_scoped3A, %dma_start3A_147, %dma_start3A_148] : memref<2x4000x8xf32, #tpu.memory_space<vmem>> -> memref<1x4000x8xf32, #tpu.memory_space<vmem>>
      %dma_start3A_150 = tpu.memref_squeeze %dma_start3A_149 : memref<1x4000x8xf32, #tpu.memory_space<vmem>> -> memref<4000x8xf32, #tpu.memory_space<vmem>>
      %dma_start3A_151 = arith.constant 0 : i32
      %dma_start3A_152 = tpu.memref_slice %arg8[%run_scoped3A_127, %dma_start3A_151] : memref<2x4000xi32, #tpu.memory_space<vmem>> -> memref<1x4000xi32, #tpu.memory_space<vmem>>
      %dma_start3A_153 = tpu.memref_squeeze %dma_start3A_152 : memref<1x4000xi32, #tpu.memory_space<vmem>> -> memref<4000xi32, #tpu.memory_space<vmem>>
      %dma_start3A_154 = arith.constant 0 : i32
      %dma_start3A_155 = arith.constant 0 : i32
      %dma_start3A_156 = tpu.memref_slice %arg10[%dma_start3A_154, %dma_start3A_155] : memref<100096x8xf32, #tpu.memory_space<vmem_shared>> -> memref<100096x8xf32, #tpu.memory_space<vmem_shared>>
      tpu.enqueue_indirect_dma source(%dma_start3A_150 : memref<4000x8xf32, #tpu.memory_space<vmem>>) target(%dma_start3A_156 : memref<100096x8xf32, #tpu.memory_space<vmem_shared>>) offsets(%dma_start3A_153 : memref<4000xi32, #tpu.memory_space<vmem>>) semaphore(%run_scoped3A_146 : memref<!tpu.dma_semaphore, #tpu.memory_space<semaphore_mem>>) {add = true}
      %dma_wait3A_157 = arith.constant 0 : i32
      %dma_wait3A_158 = arith.constant 0 : i32
      %dma_wait3A_159 = tpu.memref_slice %arg9[%run_scoped3A, %dma_wait3A_157, %dma_wait3A_158] : memref<2x4000x8xf32, #tpu.memory_space<vmem>> -> memref<1x4000x8xf32, #tpu.memory_space<vmem>>
      %dma_wait3A_160 = tpu.memref_squeeze %dma_wait3A_159 : memref<1x4000x8xf32, #tpu.memory_space<vmem>> -> memref<4000x8xf32, #tpu.memory_space<vmem>>
      %dma_wait3A_161 = arith.constant 0 : i32
      %dma_wait3A_162 = tpu.memref_slice %arg8[%run_scoped3A_127, %dma_wait3A_161] : memref<2x4000xi32, #tpu.memory_space<vmem>> -> memref<1x4000xi32, #tpu.memory_space<vmem>>
      %dma_wait3A_163 = tpu.memref_squeeze %dma_wait3A_162 : memref<1x4000xi32, #tpu.memory_space<vmem>> -> memref<4000xi32, #tpu.memory_space<vmem>>
      %dma_wait3A_164 = arith.constant 0 : i32
      %dma_wait3A_165 = arith.constant 0 : i32
      %dma_wait3A_166 = tpu.memref_slice %arg10[%dma_wait3A_164, %dma_wait3A_165] : memref<100096x8xf32, #tpu.memory_space<vmem_shared>> -> memref<100096x8xf32, #tpu.memory_space<vmem_shared>>
      tpu.wait_indirect_dma semaphore(%run_scoped3A_146 : memref<!tpu.dma_semaphore, #tpu.memory_space<semaphore_mem>>) src(%dma_wait3A_160 : memref<4000x8xf32, #tpu.memory_space<vmem>>) dst(%dma_wait3A_166 : memref<100096x8xf32, #tpu.memory_space<vmem_shared>>)
      tpu.yield
    }) : () -> ()
    %dma_wait3A_128 = arith.constant 1 : i32
    %dma_wait3A_129 = arith.constant 0 : i32
    %dma_wait3A_130 = arith.constant 0 : i32
    %dma_wait3A_131 = tpu.memref_slice %arg9[%dma_wait3A_128, %dma_wait3A_129, %dma_wait3A_130] : memref<2x4000x8xf32, #tpu.memory_space<vmem>> -> memref<1x4000x8xf32, #tpu.memory_space<vmem>>
    %dma_wait3A_132 = tpu.memref_squeeze %dma_wait3A_131 : memref<1x4000x8xf32, #tpu.memory_space<vmem>> -> memref<4000x8xf32, #tpu.memory_space<vmem>>
    %dma_wait3A_133 = arith.constant 0 : i32
    %dma_wait3A_134 = arith.constant 0 : i32
    %dma_wait3A_135 = tpu.memref_slice %arg2[%dma_wait3A_133, %dma_wait3A_134] : memref<100000x8xf32, #tpu.memory_space<hbm>> -> memref<4000x8xf32, #tpu.memory_space<hbm>>
    %dma_wait3A_136 = arith.constant 0 : i32
    %dma_wait3A_137 = arith.constant 0 : i32
    %dma_wait3A_138 = tpu.memref_slice %arg9[%dma_wait3A_128, %dma_wait3A_136, %dma_wait3A_137] : memref<2x4000x8xf32, #tpu.memory_space<vmem>> -> memref<1x4000x8xf32, #tpu.memory_space<vmem>>
    %dma_wait3A_139 = tpu.memref_squeeze %dma_wait3A_138 : memref<1x4000x8xf32, #tpu.memory_space<vmem>> -> memref<4000x8xf32, #tpu.memory_space<vmem>>
    %dma_wait3A_140 = arith.constant 0 : i32
    %dma_wait3A_141 = arith.constant 0 : i32
    %dma_wait3A_142 = tpu.memref_slice %arg2[%dma_wait3A_140, %dma_wait3A_141] : memref<100000x8xf32, #tpu.memory_space<hbm>> -> memref<4000x8xf32, #tpu.memory_space<hbm>>
    tpu.wait_dma2 semaphore(%arg14 : memref<!tpu.dma_semaphore, #tpu.memory_space<semaphore_mem>>) src(%dma_wait3A_142 : memref<4000x8xf32, #tpu.memory_space<hbm>>) dst(%dma_wait3A_139 : memref<4000x8xf32, #tpu.memory_space<vmem>>)
    %run_scoped3A_143 = arith.constant 1 : i32
    %run_scoped3A_144 = arith.constant 1 : i32
    "tpu.region"() ({
      %run_scoped3A_146 = tpu.sem_alloc : memref<!tpu.dma_semaphore, #tpu.memory_space<semaphore_mem>>
      %dma_start3A_147 = arith.constant 0 : i32
      %dma_start3A_148 = arith.constant 0 : i32
      %dma_start3A_149 = tpu.memref_slice %arg9[%run_scoped3A_143, %dma_start3A_147, %dma_start3A_148] : memref<2x4000x8xf32, #tpu.memory_space<vmem>> -> memref<1x4000x8xf32, #tpu.memory_space<vmem>>
      %dma_start3A_150 = tpu.memref_squeeze %dma_start3A_149 : memref<1x4000x8xf32, #tpu.memory_space<vmem>> -> memref<4000x8xf32, #tpu.memory_space<vmem>>
      %dma_start3A_151 = arith.constant 0 : i32
      %dma_start3A_152 = tpu.memref_slice %arg8[%run_scoped3A_144, %dma_start3A_151] : memref<2x4000xi32, #tpu.memory_space<vmem>> -> memref<1x4000xi32, #tpu.memory_space<vmem>>
      %dma_start3A_153 = tpu.memref_squeeze %dma_start3A_152 : memref<1x4000xi32, #tpu.memory_space<vmem>> -> memref<4000xi32, #tpu.memory_space<vmem>>
      %dma_start3A_154 = arith.constant 0 : i32
      %dma_start3A_155 = arith.constant 0 : i32
      %dma_start3A_156 = tpu.memref_slice %arg10[%dma_start3A_154, %dma_start3A_155] : memref<100096x8xf32, #tpu.memory_space<vmem_shared>> -> memref<100096x8xf32, #tpu.memory_space<vmem_shared>>
      tpu.enqueue_indirect_dma source(%dma_start3A_150 : memref<4000x8xf32, #tpu.memory_space<vmem>>) target(%dma_start3A_156 : memref<100096x8xf32, #tpu.memory_space<vmem_shared>>) offsets(%dma_start3A_153 : memref<4000xi32, #tpu.memory_space<vmem>>) semaphore(%run_scoped3A_146 : memref<!tpu.dma_semaphore, #tpu.memory_space<semaphore_mem>>) {add = true}
      %dma_wait3A_157 = arith.constant 0 : i32
      %dma_wait3A_158 = arith.constant 0 : i32
      %dma_wait3A_159 = tpu.memref_slice %arg9[%run_scoped3A_143, %dma_wait3A_157, %dma_wait3A_158] : memref<2x4000x8xf32, #tpu.memory_space<vmem>> -> memref<1x4000x8xf32, #tpu.memory_space<vmem>>
      %dma_wait3A_160 = tpu.memref_squeeze %dma_wait3A_159 : memref<1x4000x8xf32, #tpu.memory_space<vmem>> -> memref<4000x8xf32, #tpu.memory_space<vmem>>
      %dma_wait3A_161 = arith.constant 0 : i32
      %dma_wait3A_162 = tpu.memref_slice %arg8[%run_scoped3A_144, %dma_wait3A_161] : memref<2x4000xi32, #tpu.memory_space<vmem>> -> memref<1x4000xi32, #tpu.memory_space<vmem>>
      %dma_wait3A_163 = tpu.memref_squeeze %dma_wait3A_162 : memref<1x4000xi32, #tpu.memory_space<vmem>> -> memref<4000xi32, #tpu.memory_space<vmem>>
      %dma_wait3A_164 = arith.constant 0 : i32
      %dma_wait3A_165 = arith.constant 0 : i32
      %dma_wait3A_166 = tpu.memref_slice %arg10[%dma_wait3A_164, %dma_wait3A_165] : memref<100096x8xf32, #tpu.memory_space<vmem_shared>> -> memref<100096x8xf32, #tpu.memory_space<vmem_shared>>
      tpu.wait_indirect_dma semaphore(%run_scoped3A_146 : memref<!tpu.dma_semaphore, #tpu.memory_space<semaphore_mem>>) src(%dma_wait3A_160 : memref<4000x8xf32, #tpu.memory_space<vmem>>) dst(%dma_wait3A_166 : memref<100096x8xf32, #tpu.memory_space<vmem_shared>>)
      tpu.yield
    }) : () -> ()
    %barrier3A_145 = arith.constant 0 : index
    tpu.barrier barrier_id(%barrier3A_145)
    "tpu.region"() ({
      %run_scoped3A_146 = tpu.sem_alloc : memref<!tpu.dma_semaphore, #tpu.memory_space<semaphore_mem>>
      %dma_start3A_147 = arith.constant 0 : i32
      %dma_start3A_148 = tpu.memref_slice %arg6[%arg0, %mul3A_2, %dma_start3A_147] : memref<2x100096x8xf32, #tpu.memory_space<hbm>> -> memref<1x6256x8xf32, #tpu.memory_space<hbm>>
      %dma_start3A_149 = tpu.memref_squeeze %dma_start3A_148 : memref<1x6256x8xf32, #tpu.memory_space<hbm>> -> memref<6256x8xf32, #tpu.memory_space<hbm>>
      %dma_start3A_150 = arith.constant 0 : i32
      %dma_start3A_151 = tpu.memref_slice %arg10[%mul3A_2, %dma_start3A_150] : memref<100096x8xf32, #tpu.memory_space<vmem_shared>> -> memref<6256x8xf32, #tpu.memory_space<vmem_shared>>
      tpu.enqueue_dma source(%dma_start3A_151 : memref<6256x8xf32, #tpu.memory_space<vmem_shared>>) target(%dma_start3A_149 : memref<6256x8xf32, #tpu.memory_space<hbm>>) target_semaphore(%run_scoped3A_146 : memref<!tpu.dma_semaphore, #tpu.memory_space<semaphore_mem>>)
      %dma_wait3A_152 = arith.constant 0 : i32
      %dma_wait3A_153 = tpu.memref_slice %arg6[%arg0, %mul3A_2, %dma_wait3A_152] : memref<2x100096x8xf32, #tpu.memory_space<hbm>> -> memref<1x6256x8xf32, #tpu.memory_space<hbm>>
      %dma_wait3A_154 = tpu.memref_squeeze %dma_wait3A_153 : memref<1x6256x8xf32, #tpu.memory_space<hbm>> -> memref<6256x8xf32, #tpu.memory_space<hbm>>
      %dma_wait3A_155 = arith.constant 0 : i32
      %dma_wait3A_156 = tpu.memref_slice %arg10[%mul3A_2, %dma_wait3A_155] : memref<100096x8xf32, #tpu.memory_space<vmem_shared>> -> memref<6256x8xf32, #tpu.memory_space<vmem_shared>>
      tpu.wait_dma2 semaphore(%run_scoped3A_146 : memref<!tpu.dma_semaphore, #tpu.memory_space<semaphore_mem>>) src(%dma_wait3A_156 : memref<6256x8xf32, #tpu.memory_space<vmem_shared>>) dst(%dma_wait3A_154 : memref<6256x8xf32, #tpu.memory_space<hbm>>)
      tpu.yield
    }) : () -> ()
    return
  }
}

module attributes {stable_mosaic.version = 14 : i64} {
  func.func @_tc_finish(%arg0: i32, %arg1: memref<47104xf32, #tpu.memory_space<vmem>>, %arg2: memref<47104xf32, #tpu.memory_space<vmem>>, %arg3: memref<47104xf32, #tpu.memory_space<vmem>>, %arg4: memref<3x3xf32, #tpu.memory_space<smem>>, %arg5: memref<3x3xf32, #tpu.memory_space<smem>>, %arg6: memref<1x3xf32, #tpu.memory_space<vmem>>) attributes {dimension_semantics = [#tpu.dimension_semantics<arbitrary>], iteration_bounds = array<i64: 17>, scalar_prefetch = 0 : i64, scratch_operands = 0 : i64, tpu.core_type = #tpu.core_type<tc>, window_params = [{transform_indices = @transform_0, window_bounds = array<i64: 47104>}, {transform_indices = @transform_1, window_bounds = array<i64: 47104>}, {transform_indices = @transform_2, window_bounds = array<i64: 47104>}, {transform_indices = @transform_3, window_bounds = array<i64: 3, 3>}, {transform_indices = @transform_4, window_bounds = array<i64: 3, 3>}, {pipeline_mode = #tpu.pipeline_mode<synchronous>, transform_indices = @transform_5, window_bounds = array<i64: 1, 3>}]} {
    %get3A = arith.constant 0 : index
    %get3A_0 = vector.load %arg1[%get3A] : memref<47104xf32, #tpu.memory_space<vmem>>, vector<47104xf32>
    %get3A_1 = arith.constant 0 : index
    %get3A_2 = vector.load %arg2[%get3A_1] : memref<47104xf32, #tpu.memory_space<vmem>>, vector<47104xf32>
    %get3A_3 = arith.constant 0 : index
    %get3A_4 = vector.load %arg3[%get3A_3] : memref<47104xf32, #tpu.memory_space<vmem>>, vector<47104xf32>
    %add3A = arith.addf %get3A_2, %get3A_4 : vector<47104xf32>
    %iota3A = tpu.iota {dimensions = array<i32: 1>} : vector<1x47104xi32>
    %iota3A_5 = vector.shape_cast %iota3A : vector<1x47104xi32> to vector<47104xi32>
    %jit3A = arith.constant 8 : i32
    %eq3A = arith.constant 0 : i32
    %eq3A_6 = arith.cmpi eq, %jit3A, %eq3A : i32
    %jit3A_7 = arith.constant 1 : i32
    %select_n3A = arith.select %eq3A_6, %jit3A_7, %jit3A : i32
    %rem3A = vector.broadcast %select_n3A : i32 to vector<47104xi32>
    %rem3A_8 = arith.remsi %iota3A_5, %rem3A : vector<47104xi32>
    %ne3A = arith.constant 0 : i32
    %ne3A_9 = vector.broadcast %ne3A : i32 to vector<47104xi32>
    %ne3A_10 = arith.cmpi ne, %rem3A_8, %ne3A_9 : vector<47104xi32>
    %lt3A = arith.constant 0 : i32
    %lt3A_11 = vector.broadcast %lt3A : i32 to vector<47104xi32>
    %lt3A_12 = arith.cmpi slt, %rem3A_8, %lt3A_11 : vector<47104xi32>
    %lt3A_13 = arith.constant 0 : i32
    %lt3A_14 = arith.cmpi slt, %select_n3A, %lt3A_13 : i32
    %ne3A_15 = vector.broadcast %lt3A_14 : i1 to vector<47104xi1>
    %ne3A_16 = vector.broadcast %ne3A_15 : vector<47104xi1> to vector<47104xi1>
    %ne3A_17 = arith.xori %lt3A_12, %ne3A_16 : vector<47104xi1>
    %and3A = arith.andi %ne3A_17, %ne3A_10 : vector<47104xi1>
    %add3A_18 = vector.broadcast %select_n3A : i32 to vector<47104xi32>
    %add3A_19 = arith.addi %rem3A_8, %add3A_18 : vector<47104xi32>
    %select_n3A_20 = arith.select %and3A, %add3A_19, %rem3A_8 : vector<47104xi1>, vector<47104xi32>
    %broadcast_in_dim3A = arith.constant 0.000000e+00 : f32
    %broadcast_in_dim3A_21 = vector.broadcast %broadcast_in_dim3A : f32 to vector<47104xf32>
    %get3A_22 = arith.constant 0 : index
    %get3A_23 = arith.constant 0 : index
    %get3A_24 = memref.load %arg4[%get3A_22, %get3A_23] : memref<3x3xf32, #tpu.memory_space<smem>>
    %mul3A = vector.broadcast %get3A_24 : f32 to vector<47104xf32>
    %mul3A_25 = arith.mulf %get3A_0, %mul3A : vector<47104xf32>
    %get3A_26 = arith.constant 0 : index
    %get3A_27 = arith.constant 0 : index
    %get3A_28 = memref.load %arg5[%get3A_26, %get3A_27] : memref<3x3xf32, #tpu.memory_space<smem>>
    %mul3A_29 = vector.broadcast %get3A_28 : f32 to vector<47104xf32>
    %mul3A_30 = arith.mulf %add3A, %mul3A_29 : vector<47104xf32>
    %add3A_31 = arith.addf %mul3A_25, %mul3A_30 : vector<47104xf32>
    %add3A_32 = arith.addf %broadcast_in_dim3A_21, %add3A_31 : vector<47104xf32>
    %get3A_33 = arith.constant 1 : index
    %get3A_34 = arith.constant 0 : index
    %get3A_35 = memref.load %arg4[%get3A_33, %get3A_34] : memref<3x3xf32, #tpu.memory_space<smem>>
    %mul3A_36 = vector.broadcast %get3A_35 : f32 to vector<47104xf32>
    %mul3A_37 = arith.mulf %get3A_0, %mul3A_36 : vector<47104xf32>
    %get3A_38 = arith.constant 1 : index
    %get3A_39 = arith.constant 0 : index
    %get3A_40 = memref.load %arg5[%get3A_38, %get3A_39] : memref<3x3xf32, #tpu.memory_space<smem>>
    %mul3A_41 = vector.broadcast %get3A_40 : f32 to vector<47104xf32>
    %mul3A_42 = arith.mulf %add3A, %mul3A_41 : vector<47104xf32>
    %add3A_43 = arith.addf %mul3A_37, %mul3A_42 : vector<47104xf32>
    %slice3A = vector.extract_strided_slice %add3A_43 {offsets = [1], sizes = [47103], strides = [1]} : vector<47104xf32> to vector<47103xf32>
    %slice3A_44 = vector.extract_strided_slice %add3A_43 {offsets = [0], sizes = [1], strides = [1]} : vector<47104xf32> to vector<1xf32>
    %concatenate3A = tpu.concatenate %slice3A, %slice3A_44 in 0 : vector<47103xf32>, vector<1xf32> -> vector<47104xf32>
    %add3A_45 = arith.addf %add3A_32, %concatenate3A : vector<47104xf32>
    %get3A_46 = arith.constant 2 : index
    %get3A_47 = arith.constant 0 : index
    %get3A_48 = memref.load %arg4[%get3A_46, %get3A_47] : memref<3x3xf32, #tpu.memory_space<smem>>
    %mul3A_49 = vector.broadcast %get3A_48 : f32 to vector<47104xf32>
    %mul3A_50 = arith.mulf %get3A_0, %mul3A_49 : vector<47104xf32>
    %get3A_51 = arith.constant 2 : index
    %get3A_52 = arith.constant 0 : index
    %get3A_53 = memref.load %arg5[%get3A_51, %get3A_52] : memref<3x3xf32, #tpu.memory_space<smem>>
    %mul3A_54 = vector.broadcast %get3A_53 : f32 to vector<47104xf32>
    %mul3A_55 = arith.mulf %add3A, %mul3A_54 : vector<47104xf32>
    %add3A_56 = arith.addf %mul3A_50, %mul3A_55 : vector<47104xf32>
    %slice3A_57 = vector.extract_strided_slice %add3A_56 {offsets = [2], sizes = [47102], strides = [1]} : vector<47104xf32> to vector<47102xf32>
    %slice3A_58 = vector.extract_strided_slice %add3A_56 {offsets = [0], sizes = [2], strides = [1]} : vector<47104xf32> to vector<2xf32>
    %concatenate3A_59 = tpu.concatenate %slice3A_57, %slice3A_58 in 0 : vector<47102xf32>, vector<2xf32> -> vector<47104xf32>
    %add3A_60 = arith.addf %add3A_45, %concatenate3A_59 : vector<47104xf32>
    %max3A = arith.constant 0.000000e+00 : f32
    %max3A_61 = vector.broadcast %max3A : f32 to vector<47104xf32>
    %max3A_62 = arith.maximumf %add3A_60, %max3A_61 : vector<47104xf32>
    %eq3A_63 = arith.constant 0 : i32
    %eq3A_64 = vector.broadcast %eq3A_63 : i32 to vector<47104xi32>
    %eq3A_65 = arith.cmpi eq, %select_n3A_20, %eq3A_64 : vector<47104xi32>
    %jit3A_66 = arith.constant 0.000000e+00 : f32
    %broadcast_in_dim3A_67 = vector.broadcast %jit3A_66 : f32 to vector<47104xf32>
    %select_n3A_68 = arith.select %eq3A_65, %max3A_62, %broadcast_in_dim3A_67 : vector<47104xi1>, vector<47104xf32>
    %reduce_sum3A = vector.shape_cast %select_n3A_68 : vector<47104xf32> to vector<1x47104xf32>
    %reduce_sum3A_69 = arith.constant dense<0.000000e+00> : vector<1xf32>
    %reduce_sum3A_70 = vector.multi_reduction <add>, %reduce_sum3A, %reduce_sum3A_69 [1] : vector<1x47104xf32> to vector<1xf32>
    %reduce_sum3A_71 = vector.shape_cast %reduce_sum3A_70 : vector<1xf32> to vector<1x1xf32>
    %reduce_sum3A_72 = vector.extract %reduce_sum3A_71[0, 0] : f32 from vector<1x1xf32>
    %broadcast_in_dim3A_73 = arith.constant 0.000000e+00 : f32
    %broadcast_in_dim3A_74 = vector.broadcast %broadcast_in_dim3A_73 : f32 to vector<47104xf32>
    %get3A_75 = arith.constant 0 : index
    %get3A_76 = arith.constant 1 : index
    %get3A_77 = memref.load %arg4[%get3A_75, %get3A_76] : memref<3x3xf32, #tpu.memory_space<smem>>
    %mul3A_78 = vector.broadcast %get3A_77 : f32 to vector<47104xf32>
    %mul3A_79 = arith.mulf %get3A_0, %mul3A_78 : vector<47104xf32>
    %get3A_80 = arith.constant 0 : index
    %get3A_81 = arith.constant 1 : index
    %get3A_82 = memref.load %arg5[%get3A_80, %get3A_81] : memref<3x3xf32, #tpu.memory_space<smem>>
    %mul3A_83 = vector.broadcast %get3A_82 : f32 to vector<47104xf32>
    %mul3A_84 = arith.mulf %add3A, %mul3A_83 : vector<47104xf32>
    %add3A_85 = arith.addf %mul3A_79, %mul3A_84 : vector<47104xf32>
    %slice3A_86 = vector.extract_strided_slice %add3A_85 {offsets = [47103], sizes = [1], strides = [1]} : vector<47104xf32> to vector<1xf32>
    %slice3A_87 = vector.extract_strided_slice %add3A_85 {offsets = [0], sizes = [47103], strides = [1]} : vector<47104xf32> to vector<47103xf32>
    %concatenate3A_88 = tpu.concatenate %slice3A_86, %slice3A_87 in 0 : vector<1xf32>, vector<47103xf32> -> vector<47104xf32>
    %add3A_89 = arith.addf %broadcast_in_dim3A_74, %concatenate3A_88 : vector<47104xf32>
    %get3A_90 = arith.constant 1 : index
    %get3A_91 = arith.constant 1 : index
    %get3A_92 = memref.load %arg4[%get3A_90, %get3A_91] : memref<3x3xf32, #tpu.memory_space<smem>>
    %mul3A_93 = vector.broadcast %get3A_92 : f32 to vector<47104xf32>
    %mul3A_94 = arith.mulf %get3A_0, %mul3A_93 : vector<47104xf32>
    %get3A_95 = arith.constant 1 : index
    %get3A_96 = arith.constant 1 : index
    %get3A_97 = memref.load %arg5[%get3A_95, %get3A_96] : memref<3x3xf32, #tpu.memory_space<smem>>
    %mul3A_98 = vector.broadcast %get3A_97 : f32 to vector<47104xf32>
    %mul3A_99 = arith.mulf %add3A, %mul3A_98 : vector<47104xf32>
    %add3A_100 = arith.addf %mul3A_94, %mul3A_99 : vector<47104xf32>
    %add3A_101 = arith.addf %add3A_89, %add3A_100 : vector<47104xf32>
    %get3A_102 = arith.constant 2 : index
    %get3A_103 = arith.constant 1 : index
    %get3A_104 = memref.load %arg4[%get3A_102, %get3A_103] : memref<3x3xf32, #tpu.memory_space<smem>>
    %mul3A_105 = vector.broadcast %get3A_104 : f32 to vector<47104xf32>
    %mul3A_106 = arith.mulf %get3A_0, %mul3A_105 : vector<47104xf32>
    %get3A_107 = arith.constant 2 : index
    %get3A_108 = arith.constant 1 : index
    %get3A_109 = memref.load %arg5[%get3A_107, %get3A_108] : memref<3x3xf32, #tpu.memory_space<smem>>
    %mul3A_110 = vector.broadcast %get3A_109 : f32 to vector<47104xf32>
    %mul3A_111 = arith.mulf %add3A, %mul3A_110 : vector<47104xf32>
    %add3A_112 = arith.addf %mul3A_106, %mul3A_111 : vector<47104xf32>
    %slice3A_113 = vector.extract_strided_slice %add3A_112 {offsets = [1], sizes = [47103], strides = [1]} : vector<47104xf32> to vector<47103xf32>
    %slice3A_114 = vector.extract_strided_slice %add3A_112 {offsets = [0], sizes = [1], strides = [1]} : vector<47104xf32> to vector<1xf32>
    %concatenate3A_115 = tpu.concatenate %slice3A_113, %slice3A_114 in 0 : vector<47103xf32>, vector<1xf32> -> vector<47104xf32>
    %add3A_116 = arith.addf %add3A_101, %concatenate3A_115 : vector<47104xf32>
    %max3A_117 = arith.constant 0.000000e+00 : f32
    %max3A_118 = vector.broadcast %max3A_117 : f32 to vector<47104xf32>
    %max3A_119 = arith.maximumf %add3A_116, %max3A_118 : vector<47104xf32>
    %eq3A_120 = arith.constant 1 : i32
    %eq3A_121 = vector.broadcast %eq3A_120 : i32 to vector<47104xi32>
    %eq3A_122 = arith.cmpi eq, %select_n3A_20, %eq3A_121 : vector<47104xi32>
    %jit3A_123 = arith.constant 0.000000e+00 : f32
    %broadcast_in_dim3A_124 = vector.broadcast %jit3A_123 : f32 to vector<47104xf32>
    %select_n3A_125 = arith.select %eq3A_122, %max3A_119, %broadcast_in_dim3A_124 : vector<47104xi1>, vector<47104xf32>
    %reduce_sum3A_126 = vector.shape_cast %select_n3A_125 : vector<47104xf32> to vector<1x47104xf32>
    %reduce_sum3A_127 = arith.constant dense<0.000000e+00> : vector<1xf32>
    %reduce_sum3A_128 = vector.multi_reduction <add>, %reduce_sum3A_126, %reduce_sum3A_127 [1] : vector<1x47104xf32> to vector<1xf32>
    %reduce_sum3A_129 = vector.shape_cast %reduce_sum3A_128 : vector<1xf32> to vector<1x1xf32>
    %reduce_sum3A_130 = vector.extract %reduce_sum3A_129[0, 0] : f32 from vector<1x1xf32>
    %broadcast_in_dim3A_131 = arith.constant 0.000000e+00 : f32
    %broadcast_in_dim3A_132 = vector.broadcast %broadcast_in_dim3A_131 : f32 to vector<47104xf32>
    %get3A_133 = arith.constant 0 : index
    %get3A_134 = arith.constant 2 : index
    %get3A_135 = memref.load %arg4[%get3A_133, %get3A_134] : memref<3x3xf32, #tpu.memory_space<smem>>
    %mul3A_136 = vector.broadcast %get3A_135 : f32 to vector<47104xf32>
    %mul3A_137 = arith.mulf %get3A_0, %mul3A_136 : vector<47104xf32>
    %get3A_138 = arith.constant 0 : index
    %get3A_139 = arith.constant 2 : index
    %get3A_140 = memref.load %arg5[%get3A_138, %get3A_139] : memref<3x3xf32, #tpu.memory_space<smem>>
    %mul3A_141 = vector.broadcast %get3A_140 : f32 to vector<47104xf32>
    %mul3A_142 = arith.mulf %add3A, %mul3A_141 : vector<47104xf32>
    %add3A_143 = arith.addf %mul3A_137, %mul3A_142 : vector<47104xf32>
    %slice3A_144 = vector.extract_strided_slice %add3A_143 {offsets = [47102], sizes = [2], strides = [1]} : vector<47104xf32> to vector<2xf32>
    %slice3A_145 = vector.extract_strided_slice %add3A_143 {offsets = [0], sizes = [47102], strides = [1]} : vector<47104xf32> to vector<47102xf32>
    %concatenate3A_146 = tpu.concatenate %slice3A_144, %slice3A_145 in 0 : vector<2xf32>, vector<47102xf32> -> vector<47104xf32>
    %add3A_147 = arith.addf %broadcast_in_dim3A_132, %concatenate3A_146 : vector<47104xf32>
    %get3A_148 = arith.constant 1 : index
    %get3A_149 = arith.constant 2 : index
    %get3A_150 = memref.load %arg4[%get3A_148, %get3A_149] : memref<3x3xf32, #tpu.memory_space<smem>>
    %mul3A_151 = vector.broadcast %get3A_150 : f32 to vector<47104xf32>
    %mul3A_152 = arith.mulf %get3A_0, %mul3A_151 : vector<47104xf32>
    %get3A_153 = arith.constant 1 : index
    %get3A_154 = arith.constant 2 : index
    %get3A_155 = memref.load %arg5[%get3A_153, %get3A_154] : memref<3x3xf32, #tpu.memory_space<smem>>
    %mul3A_156 = vector.broadcast %get3A_155 : f32 to vector<47104xf32>
    %mul3A_157 = arith.mulf %add3A, %mul3A_156 : vector<47104xf32>
    %add3A_158 = arith.addf %mul3A_152, %mul3A_157 : vector<47104xf32>
    %slice3A_159 = vector.extract_strided_slice %add3A_158 {offsets = [47103], sizes = [1], strides = [1]} : vector<47104xf32> to vector<1xf32>
    %slice3A_160 = vector.extract_strided_slice %add3A_158 {offsets = [0], sizes = [47103], strides = [1]} : vector<47104xf32> to vector<47103xf32>
    %concatenate3A_161 = tpu.concatenate %slice3A_159, %slice3A_160 in 0 : vector<1xf32>, vector<47103xf32> -> vector<47104xf32>
    %add3A_162 = arith.addf %add3A_147, %concatenate3A_161 : vector<47104xf32>
    %get3A_163 = arith.constant 2 : index
    %get3A_164 = arith.constant 2 : index
    %get3A_165 = memref.load %arg4[%get3A_163, %get3A_164] : memref<3x3xf32, #tpu.memory_space<smem>>
    %mul3A_166 = vector.broadcast %get3A_165 : f32 to vector<47104xf32>
    %mul3A_167 = arith.mulf %get3A_0, %mul3A_166 : vector<47104xf32>
    %get3A_168 = arith.constant 2 : index
    %get3A_169 = arith.constant 2 : index
    %get3A_170 = memref.load %arg5[%get3A_168, %get3A_169] : memref<3x3xf32, #tpu.memory_space<smem>>
    %mul3A_171 = vector.broadcast %get3A_170 : f32 to vector<47104xf32>
    %mul3A_172 = arith.mulf %add3A, %mul3A_171 : vector<47104xf32>
    %add3A_173 = arith.addf %mul3A_167, %mul3A_172 : vector<47104xf32>
    %add3A_174 = arith.addf %add3A_162, %add3A_173 : vector<47104xf32>
    %max3A_175 = arith.constant 0.000000e+00 : f32
    %max3A_176 = vector.broadcast %max3A_175 : f32 to vector<47104xf32>
    %max3A_177 = arith.maximumf %add3A_174, %max3A_176 : vector<47104xf32>
    %eq3A_178 = arith.constant 2 : i32
    %eq3A_179 = vector.broadcast %eq3A_178 : i32 to vector<47104xi32>
    %eq3A_180 = arith.cmpi eq, %select_n3A_20, %eq3A_179 : vector<47104xi32>
    %jit3A_181 = arith.constant 0.000000e+00 : f32
    %broadcast_in_dim3A_182 = vector.broadcast %jit3A_181 : f32 to vector<47104xf32>
    %select_n3A_183 = arith.select %eq3A_180, %max3A_177, %broadcast_in_dim3A_182 : vector<47104xi1>, vector<47104xf32>
    %reduce_sum3A_184 = vector.shape_cast %select_n3A_183 : vector<47104xf32> to vector<1x47104xf32>
    %reduce_sum3A_185 = arith.constant dense<0.000000e+00> : vector<1xf32>
    %reduce_sum3A_186 = vector.multi_reduction <add>, %reduce_sum3A_184, %reduce_sum3A_185 [1] : vector<1x47104xf32> to vector<1xf32>
    %reduce_sum3A_187 = vector.shape_cast %reduce_sum3A_186 : vector<1xf32> to vector<1x1xf32>
    %reduce_sum3A_188 = vector.extract %reduce_sum3A_187[0, 0] : f32 from vector<1x1xf32>
    %iota3A_189 = tpu.iota {dimensions = array<i32: 1>} : vector<1x3xi32>
    %eq3A_190 = arith.constant 0 : i32
    %eq3A_191 = vector.broadcast %eq3A_190 : i32 to vector<1x3xi32>
    %eq3A_192 = arith.cmpi eq, %iota3A_189, %eq3A_191 : vector<1x3xi32>
    %eq3A_193 = arith.constant 1 : i32
    %eq3A_194 = vector.broadcast %eq3A_193 : i32 to vector<1x3xi32>
    %eq3A_195 = arith.cmpi eq, %iota3A_189, %eq3A_194 : vector<1x3xi32>
    %broadcast_in_dim3A_196 = vector.broadcast %reduce_sum3A_130 : f32 to vector<1x3xf32>
    %broadcast_in_dim3A_197 = vector.broadcast %reduce_sum3A_188 : f32 to vector<1x3xf32>
    %select_n3A_198 = arith.select %eq3A_195, %broadcast_in_dim3A_196, %broadcast_in_dim3A_197 : vector<1x3xi1>, vector<1x3xf32>
    %broadcast_in_dim3A_199 = vector.broadcast %reduce_sum3A_72 : f32 to vector<1x3xf32>
    %select_n3A_200 = arith.select %eq3A_192, %broadcast_in_dim3A_199, %select_n3A_198 : vector<1x3xi1>, vector<1x3xf32>
    %eq3A_201 = arith.constant 0 : i32
    %eq3A_202 = arith.cmpi eq, %arg0, %eq3A_201 : i32
    %convert_element_type3A = arith.extui %eq3A_202 : i1 to i32
    %cond3A = arith.constant 0 : i32
    %cond3A_203 = arith.cmpi ne, %convert_element_type3A, %cond3A : i32
    scf.if %cond3A_203 {
      %broadcast_in_dim3A_215 = arith.constant 0.000000e+00 : f32
      %broadcast_in_dim3A_216 = vector.broadcast %broadcast_in_dim3A_215 : f32 to vector<1x3xf32>
      %swap3A_217 = arith.constant 0 : index
      %swap3A_218 = arith.constant 0 : index
      %swap3A_219 = vector.load %arg6[%swap3A_217, %swap3A_218] : memref<1x3xf32, #tpu.memory_space<vmem>>, vector<1x3xf32>
      tpu.vector_store %arg6[%swap3A_217, %swap3A_218], %broadcast_in_dim3A_216 {strides = array<i32>} : memref<1x3xf32, #tpu.memory_space<vmem>>, vector<1x3xf32>,
    } else {
    }
    %get3A_204 = arith.constant 0 : index
    %get3A_205 = arith.constant 0 : index
    %get3A_206 = vector.load %arg6[%get3A_204, %get3A_205] : memref<1x3xf32, #tpu.memory_space<vmem>>, vector<1x3xf32>
    %add3A_207 = arith.addf %get3A_206, %select_n3A_200 : vector<1x3xf32>
    %swap3A = arith.constant 0 : index
    %swap3A_208 = arith.constant 0 : index
    %swap3A_209 = vector.load %arg6[%swap3A, %swap3A_208] : memref<1x3xf32, #tpu.memory_space<vmem>>, vector<1x3xf32>
    tpu.vector_store %arg6[%swap3A, %swap3A_208], %add3A_207 {strides = array<i32>} : memref<1x3xf32, #tpu.memory_space<vmem>>, vector<1x3xf32>,
    %eq3A_210 = arith.constant 16 : i32
    %eq3A_211 = arith.cmpi eq, %arg0, %eq3A_210 : i32
    %convert_element_type3A_212 = arith.extui %eq3A_211 : i1 to i32
    %cond3A_213 = arith.constant 0 : i32
    %cond3A_214 = arith.cmpi ne, %convert_element_type3A_212, %cond3A_213 : i32
    scf.if %cond3A_214 {
      %get3A_215 = arith.constant 0 : index
      %get3A_216 = arith.constant 0 : index
      %get3A_217 = vector.load %arg6[%get3A_215, %get3A_216] : memref<1x3xf32, #tpu.memory_space<vmem>>, vector<1x3xf32>
      %reduce_max3A = vector.shape_cast %get3A_217 : vector<1x3xf32> to vector<1x1x3xf32>
      %reduce_max3A_218 = arith.constant dense<0xFF800000> : vector<1xf32>
      %reduce_max3A_219 = vector.multi_reduction <maximumf>, %reduce_max3A, %reduce_max3A_218 [1, 2] : vector<1x1x3xf32> to vector<1xf32>
      %reduce_max3A_220 = vector.shape_cast %reduce_max3A_219 : vector<1xf32> to vector<1x1x1xf32>
      %reduce_max3A_221 = vector.extract %reduce_max3A_220[0, 0, 0] : f32 from vector<1x1x1xf32>
      %sub3A = vector.broadcast %reduce_max3A_221 : f32 to vector<1x3xf32>
      %sub3A_222 = arith.subf %get3A_217, %sub3A : vector<1x3xf32>
      %exp3A = math.exp %sub3A_222 : vector<1x3xf32>
      %reduce_sum3A_223 = vector.shape_cast %exp3A : vector<1x3xf32> to vector<1x1x3xf32>
      %reduce_sum3A_224 = arith.constant dense<0.000000e+00> : vector<1xf32>
      %reduce_sum3A_225 = vector.multi_reduction <add>, %reduce_sum3A_223, %reduce_sum3A_224 [1, 2] : vector<1x1x3xf32> to vector<1xf32>
      %reduce_sum3A_226 = vector.shape_cast %reduce_sum3A_225 : vector<1xf32> to vector<1x1x1xf32>
      %reduce_sum3A_227 = vector.extract %reduce_sum3A_226[0, 0, 0] : f32 from vector<1x1x1xf32>
      %div3A = vector.broadcast %reduce_sum3A_227 : f32 to vector<1x3xf32>
      %div3A_228 = arith.divf %exp3A, %div3A : vector<1x3xf32>
      %swap3A_229 = arith.constant 0 : index
      %swap3A_230 = arith.constant 0 : index
      %swap3A_231 = vector.load %arg6[%swap3A_229, %swap3A_230] : memref<1x3xf32, #tpu.memory_space<vmem>>, vector<1x3xf32>
      tpu.vector_store %arg6[%swap3A_229, %swap3A_230], %div3A_228 {strides = array<i32>} : memref<1x3xf32, #tpu.memory_space<vmem>>, vector<1x3xf32>,
    } else {
    }
    return
  }
  func.func @transform_0(%arg0: i32) -> i32 {
    %c0_i32 = arith.constant 0 : i32
    return %arg0 : i32
  }
  func.func @transform_1(%arg0: i32) -> i32 {
    %c0_i32 = arith.constant 0 : i32
    return %arg0 : i32
  }
  func.func @transform_2(%arg0: i32) -> i32 {
    %add3A = arith.constant 17 : i32
    %add3A_0 = arith.addi %arg0, %add3A : i32
    %c0_i32 = arith.constant 0 : i32
    return %add3A_0 : i32
  }
  func.func @transform_3(%arg0: i32) -> (i32, i32) {
    %c0_i32 = arith.constant 0 : i32
    %c0_i32_0 = arith.constant 0 : i32
    %c0_i32_1 = arith.constant 0 : i32
    return %c0_i32, %c0_i32_0 : i32, i32
  }
  func.func @transform_4(%arg0: i32) -> (i32, i32) {
    %c0_i32 = arith.constant 0 : i32
    %c0_i32_0 = arith.constant 0 : i32
    %c0_i32_1 = arith.constant 0 : i32
    return %c0_i32, %c0_i32_0 : i32, i32
  }
  func.func @transform_5(%arg0: i32) -> (i32, i32) {
    %c0_i32 = arith.constant 0 : i32
    %c0_i32_0 = arith.constant 0 : i32
    %c0_i32_1 = arith.constant 0 : i32
    return %c0_i32, %c0_i32_0 : i32, i32
  }
}

</mosaic_0001>

<sc_bundles>
// kernel: kernel.4.cloned.1.call-start
scs
__scs_entry_jumppad:
0x0: {  	(pc) =	sbr.rel $0x88, $3  }
0x1: {  	(tag) =	ssettag $0x0;
	lr =	simm.s32 $0x1  }
0x2: {  	[smem:$0x3F9D] =	sst lr;
	_ =	strace $0xD0000000  }
0x3: {  	_ = 	snop  }
0x4: {  	_ = 	snop  }
0x5: {  	_ = 	snop  }
0x6: {  	_ = 	snop  }
0x7: {  	_ = 	snop  }
__scs_overlays_trampoline_lowered:
0x8: {  	[smem:$0x3FAC] =	sst s0  }
0x9: {  	[smem:$0x3FAD] =	sst s1  }
0xa: {  	[smem:$0x3FAE] =	sst s2  }
0xb: {  	[smem:$0x3FAF] =	sst s3  }
0xc: {  	[smem:$0x3FB0] =	sst s4  }
0xd: {  	[smem:$0x3FB1] =	sst s5  }
0xe: {  	[smem:$0x3FB2] =	sst s6  }
0xf: {  	[smem:$0x3FB3] =	sst s7  }
0x10: {  	[smem:$0x3FB4] =	sst s8  }
0x11: {  	[smem:$0x3FB5] =	sst s9;
	s0 =	simm.s32 @!p0 $0x0  }
0x12: {  	s1 =	sld [smem:$0x3F9B];
	s0 =	simm.s32 @p0 $0x1  }
0x13: {  	[smem:$0x3FB6] =	sst s0;
	s0 =	simm.s32 @!p1 $0x0  }
0x14: {  	s2 =	sld [smem:$0x3F9A];
	s0 =	simm.s32 @p1 $0x1  }
0x15: {  	[smem:$0x3FB7] =	sst s0;
	s0 =	simm.s32 @!p2 $0x0  }
0x16: {  	s3 =	sld [smem:$0x3FDB];
	s0 =	simm.s32 @p2 $0x1  }
0x17: {  	s4 =	simm.s32 $0x1BF5;
	[smem:$0x3FB9] =	sst s0  }
0x18: {  	s0 =	sld [smem:$0x3F9C];
	_ =	swait.ge [sflag:s4], $0x0  }
0x19: {  	s7 =	sld [smem:$0x3F9D]  }
0x1a: {  	s8 =	sadd.s32 $0xFFFFE003, lr  }
0x1b: {  	s9 =	sadd.s32 $0xFFFFFEF7, lr;
	s5 =	simm.s32 $0xFFFFFFFF;
	p2 =	slt.u32 s8, $0xFFFFF086  }
0x1c: {  	p1 =	slt.u32 s9, $0xF7A;
	s5 =	simm.s32 @!p2 $0x0  }
0x1d: {  	s5 =	simm.s32 @p1 $0x1;
	p0 =	seq.s32 s7, s2  }
0x1e: {  	s7 =	smul.u32 @!p0 $0xF7A, s2;
	p2 =	seq.s32 @!p0 s5, $0x0  }
0x1f: {  	s9 =	smul.u32 $0xF7A, s1;
	s8 =	simm.s32 @!p0 $0x1BF5;
	p2 =	por !p2, p0  }
0x20: {  	[sflag:s8] =	ssyncset.s32 @!p0 $0xFFFFF086;
	s6 =	sadd.s32 @!p0 s3, s7;
	s7 =	simm.s32 @!p0 $0x108  }
0x21: {  	s3 =	sadd.s32 s3, s9;
	s6 =	sadd.s32 @!p0 $0x88, s6;
	s7 =	simm.s32 @p2 $0x1082  }
0x22: {  	[simem:s7], [sflag:s8] =	dma.local @!p0 [hbm:s6], $0xF7A  }
0x23: {  	s9 =	sor.u32 $0xD0000000, s2;
	s6 =	simm.s32 $0x108;
	_ =	swait.ge @!p0 [sflag:s8], $0x0  }
0x24: {  	s3 =	sadd.s32 $0x88, s3;
	s6 =	simm.s32 @!p1 $0x1082;
	[sflag:s4] =	ssyncset.s32 $0xFFFFF086  }
0x25: {  	[simem:s6], [sflag:s4] =	dma.local [hbm:s3], $0xF7A  }
0x26: {  	[smem:$0x3F9D] =	sst s1;
	(tag) =	ssettag s2;
	_ =	strace s9  }
0x27: {  	s1 =	sld [smem:$0x3FAD]  }
0x28: {  	s2 =	sld [smem:$0x3FAE]  }
0x29: {  	s4 =	sld [smem:$0x3FB0]  }
0x2a: {  	p0 =	seq.s32 s5, $0x0;
	s5 =	sld [smem:$0x3FB1]  }
0x2b: {  	s6 =	sld [smem:$0x3FB2]  }
0x2c: {  	s7 =	sld [smem:$0x3FB3]  }
0x2d: {  	s3 =	simm.s32 $0x108;
	s8 =	sld [smem:$0x3FB4]  }
0x2e: {  	s3 =	simm.s32 @!p0 $0x1082;
	s9 =	sld [smem:$0x3FB5]  }
0x2f: {  	lr =	sadd.s32 s0, s3;
	s0 =	sld [smem:$0x3FAC]  }
0x30: {  	s3 =	sld [smem:$0x3FAF]  }
0x31: {  	[smem:$0x3FB8] =	sst s10  }
0x32: {  	s10 =	sld [smem:$0x3FB6];
	_ =	sdelay $0x3  }
0x33: {  	p0 =	seq.s32 s10, $0x1;
	s10 =	sld [smem:$0x3FB8];
	_ =	sdelay $0x3  }
0x34: {  	[smem:$0x3FB8] =	sst s10  }
0x35: {  	s10 =	sld [smem:$0x3FB7];
	_ =	sdelay $0x3  }
0x36: {  	p1 =	seq.s32 s10, $0x1;
	s10 =	sld [smem:$0x3FB8];
	_ =	sdelay $0x3  }
0x37: {  	[smem:$0x3FB8] =	sst s10  }
0x38: {  	s10 =	sld [smem:$0x3FB9]  }
0x39: {  	_ = 	snop;
	(pc) =	sbr.ind lr, $3  }
0x3a: {  	_ = 	snop  }
0x3b: {  	_ = 	snop  }
0x3c: {  	p2 =	seq.s32 s10, $0x1;
	s10 =	sld [smem:$0x3FB8]  }
0x3d: {  	_ =	shalt  }
0x3e: {  	_ =	shalt  }
0x3f: {  	_ =	shalt  }
0x40: {  	_ =	shalt  }
0x41: {  	_ =	shalt  }
0x42: {  	_ =	shalt  }
0x43: {  	_ =	shalt  }
0x44: {  	_ =	shalt  }
0x45: {  	_ =	shalt  }
0x46: {  	_ =	shalt  }
0x47: {  	_ =	shalt  }
0x48: {  	_ =	shalt  }
0x49: {  	_ =	shalt  }
0x4a: {  	_ =	shalt  }
0x4b: {  	_ =	shalt  }
0x4c: {  	_ =	shalt  }
0x4d: {  	_ =	shalt  }
0x4e: {  	_ =	shalt  }
0x4f: {  	_ =	shalt  }
0x50: {  	_ =	shalt  }
0x51: {  	_ =	shalt  }
0x52: {  	_ =	shalt  }
0x53: {  	_ =	shalt  }
0x54: {  	_ =	shalt  }
0x55: {  	_ =	shalt  }
0x56: {  	_ =	shalt  }
0x57: {  	_ =	shalt  }
0x58: {  	_ =	shalt  }
0x59: {  	_ =	shalt  }
0x5a: {  	_ =	shalt  }
0x5b: {  	_ =	shalt  }
0x5c: {  	_ =	shalt  }
0x5d: {  	_ =	shalt  }
0x5e: {  	_ =	shalt  }
0x5f: {  	_ =	shalt  }
0x60: {  	_ =	shalt  }
0x61: {  	_ =	shalt  }
0x62: {  	_ =	shalt  }
0x63: {  	_ =	shalt  }
0x64: {  	_ =	shalt  }
0x65: {  	_ =	shalt  }
0x66: {  	_ =	shalt  }
0x67: {  	_ =	shalt  }
0x68: {  	_ =	shalt  }
0x69: {  	_ =	shalt  }
0x6a: {  	_ =	shalt  }
0x6b: {  	_ =	shalt  }
0x6c: {  	_ =	shalt  }
0x6d: {  	_ =	shalt  }
0x6e: {  	_ =	shalt  }
0x6f: {  	_ =	shalt  }
0x70: {  	_ =	shalt  }
0x71: {  	_ =	shalt  }
0x72: {  	_ =	shalt  }
0x73: {  	_ =	shalt  }
0x74: {  	_ =	shalt  }
0x75: {  	_ =	shalt  }
0x76: {  	_ =	shalt  }
0x77: {  	_ =	shalt  }
0x78: {  	_ =	shalt  }
0x79: {  	_ =	shalt  }
0x7a: {  	_ =	shalt  }
0x7b: {  	_ =	shalt  }
0x7c: {  	_ =	shalt  }
0x7d: {  	_ =	shalt  }
0x7e: {  	_ =	shalt  }
0x7f: {  	_ =	shalt  }
0x80: {  	_ =	shalt  }
0x81: {  	_ =	shalt  }
0x82: {  	_ =	shalt  }
0x83: {  	_ =	shalt  }
0x84: {  	_ =	shalt  }
0x85: {  	_ =	shalt  }
0x86: {  	_ =	shalt  }
0x87: {  	_ =	shalt  }
.Lfunc_end0:
.L_simem_size_0:
called_computation_lowered:
.L_overlay_start_0:
0x88: {  	s2 =	sld [smem:$0x3FD9]  }
0x89: {  	s3 =	sld [smem:$0x3FFE];
	_ =	sdelay $0x1  }
0x8a: {  	s1 =	srdreg.scid  }
0x8b: {  	s0 =	sand.u32 $0x1, s1  }
0x8c: {  	s16 =	sshll.u32 s0, $0xA;
	s2 =	sadd.s32 s3, s2  }
0x8d: {  	s2 =	sadd.s32 s2, s16  }
0x8e: {  	[smem:$0x3FC4] =	sst s2  }
0x8f: {  	_ = 	snop  }
0x90: {  	(tm) =	ssettm $0x1  }
0x91: {  	s17 =	sld [smem:$0x3FFB];
	_ =	sdelay $0x3  }
0x92: {  	_ =	strace s17  }
0x93: {  	s2 =	sld [smem:$0x3FFC];
	_ =	sdelay $0x3  }
0x94: {  	_ =	strace s2  }
0x95: {  	s2 =	sld [smem:$0x3FFD];
	_ =	sdelay $0x3  }
0x96: {  	_ =	strace s2  }
0x97: {  	_ =	strace $0x8FFFFFFF  }
0x98: {  	s18 =	sld [smem:$0x3FDB];
	_ =	sdelay $0x1  }
0x99: {  	s19 =	simm.s32 $_scs_section_size  }
0x9a: {  	s4 =	simm.s32 $_size__tile_overlayer_lowered;
	s5 =	simm.s32 $_tile_overlayer_lowered  }
0x9b: {  	s22 =	simm.s32 $0x1BFF;
	s21 =	sshll.u32 s5, $0x1;
	s2 =	sadd.s32 s19, s18  }
0x9c: {  	s6 =	simm.s32 $0x0;
	s20 =	sshll.u32 s4, $0x1;
	s4 =	sadd.s32 s21, s2  }
0x9d: {  	[timem:s6], [sflag:s22] =	dma.local [hbm:s4], s20  }
0x9e: {  	_ =	swait.ge [sflag:s22], s20  }
0x9f: {  	s3 =	ssub.s32 $0x0, s20;
	[sflag:s22] =	ssyncset.done $0x0  }
0xa0: {  	[sflag:s22] =	ssyncadd.s32 s3;
	_ =	sdelay $0x1  }
0xa1: {  	s23 =	simm.s32 $0x1B8B  }
0xa2: {  	_ =	swait.ge [sflag:s23], $0x1  }
0xa3: {  	[sflag:s23] =	ssyncset.done $0x0  }
0xa4: {  	s25 =	simm.s32 $0x1B8E;
	s24 =	sld [smem:$0x3FFE];
	[sflag:s23] =	ssyncadd.s32 $0xFFFFFFFF  }
0xa5: {  	s26 =	simm.s32 $execute0_lowered;
	[smem:$0x3FD2] =	sst s25  }
0xa6: {  	s4 =	sshll.u32 s26, $0x1;
	_ =	strace $0x80000046;
	[dreg:$0x1] =	wrdreg $0xFFFFFFFF  }
0xa7: {  	s28 =	simm.s32 $_size_execute0_lowered;
	s2 =	sadd.s32 s2, s4;
	[dreg:$0x0] =	wrdreg $0x0  }
0xa8: {  	s4 =	sshll.u32 s28, $0x1;
	[dreg:$0x2] =	wrdreg s2  }
0xa9: {  	[dreg:$0x3] =	wrdreg s4  }
0xaa: {  	[dreg:$0x4] =	wrdreg $0xC0  }
0xab: {  	_ =	task [dreg:s6], $0x5FFFF  }
0xac: {  	[dreg:$0x1] =	wrdreg $0xFFFFFFFF  }
0xad: {  	[dreg:$0x0] =	wrdreg $0x60  }
0xae: {  	[dreg:$0x2] =	wrdreg s24  }
0xaf: {  	[dreg:$0x3] =	wrdreg $0x138800  }
0xb0: {  	[dreg:$0x4] =	wrdreg $0x9  }
0xb1: {  	_ =	task.clear_ibuf [dreg:s6], $0x5FFFF;
	_ =	strace $0x90000046  }
0xb2: {  	s29 =	simm.s32 $0x9;
	_ =	strace $0x80000048  }
0xb3: {  	_ =	swait.ge [sflag:s29], $0x1  }
0xb4: {  	[sflag:s29] =	ssyncadd.s32 $0xFFFFFFFF  }
0xb5: {  	_ =	strace $0x90000048  }
0xb6: {  	_ =	sfence  }
0xb7: {  	s30 =	sld [smem:$0x0];
	_ =	sdelay $0x2  }
0xb8: {  	s31 =	sshll.u32 s1, $0xD;
	s1 =	sshrl.u32 s1, $0x2  }
0xb9: {  	s3 =	sand.u32 $0x4000, s31;
	s1 =	sadd.s32 s1, s30  }
0xba: {  	s0 =	sor.u32 s3, s0;
	s1 =	sshll.u32 s1, $0x11  }
0xbb: {  	s0 =	sor.u32 s1, s0  }
0xbc: {  	s0 =	sadd.s32 $0x8F2B, s0  }
0xbd: {  	[sflag:s0] =	ssyncadd.remote.s32 $0x1  }
0xbe: {  	_ =	sfence.sel $0xFFFF  }
0xbf: {  	[dreg:$0x0] =	wrdreg $0xFFFFFFFF;
	(pc) =	sbr.abs _section_cstart, $3  }
0xc0: {  	[dreg:$0x1] =	wrdreg $0xFFFFFFFF  }
0xc1: {  	_ =	task.clear_ibuf [dreg:s6], $0x2FFFF;
	_ =	strace $0x9FFFFFFF  }
0xc2: {  	(tm) =	ssettm $0x7FFFFFFF  }
0xc3: {  	_ =	shalt  }
tec
execute0_lowered:
.L_overlay_start_1:
0x0: {  	(tag) =	ssettag $0x1  }
0x1: {  	s0 =	rddreg [dreg:$0x0]  }
0x2: {  	s2 =	rddreg [dreg:$0x1];
	s3 =	simm.s32 $0x0;
	s12 =	stileid.u32  }
0x3: {  	s1 =	srdreg.scid;
	s19 =	simm.s32 $0x5;
	s20 =	simm.s32 $0x1F40  }
0x4: {  	s28 =	simm.s32 $0xBB80;
	s29 =	simm.s32 $0x4;
	s30 =	simm.s32 $0x0  }
0x5: {  	[smem:$0x7FF] =	sst s3;
	s7 =	smul.u32 $0xC380, s12;
	s1 =	sand.u32 $0x1, s1  }
0x6: {  	s4 =	sadd.s32 $0xE00, s0;
	s5 =	sadd.s32 $0xDCC00, s0;
	s6 =	sadd.s32 $0x19600, s0  }
0x7: {  	s10 =	sshll.u32 s12, $0x1;
	s22 =	smul.u32 $0x61A80, s12;
	s23 =	sshll.u32 s12, $0x6  }
0x8: {  	_ =	strace $0x80000047;
	s8 =	smul.u32 $0xC3800, s1;
	s11 =	ssub.s32 $0x2, s1  }
0x9: {  	s10 =	sor.u32 s1, s10;
	s1 =	smul.u32 $0x30D40, s1;
	s9 =	sshrl.u32 s7, $0x3  }
0xa: {  	s21 =	sshrl.u32 s11, $0x1;
	s10 =	smul.u32 $0x30D40, s10;
	s18 =	sadd.s32 s7, s2  }
0xb: {  	s9 =	sadd.s32 s9, s0;
	s8 =	sadd.s32 s7, s8;
	s14 =	ssub.s32 s11, s21  }
0xc: {  	s1 =	sadd.s32 s1, s22;
	s18 =	sshrl.u32 s18, $0x3;
	s21 =	simm.s32 $0xFA0  }
0xd: {  	s22 =	simm.s32 $0x2EE0;
	s8 =	sshrl.u32 s8, $0x3;
	s24 =	sshrl.u32 s10, $0x3  }
0xe: {  	s25 =	sadd.s32 $0x1A0200, s9;
	s15 =	sadd.s32 $0x2EE0, s1;
	s14 =	smax.u32 s14, $0x1  }
0xf: {  	s17 =	sadd.s32 $0x1F40, s1;
	s0 =	sadd.s32 s8, s0;
	[dreg:$0x3] =	wrdreg s25  }
0x10: {  	s8 =	sor.u32 $0x1C05, s23;
	s26 =	sadd.s32 s5, s24;
	s10 =	sadd.s32 s6, s24  }
0x11: {  	s12 =	sadd.s32 $0x1F4, s24;
	s31 =	sshrl.u32 s15, $0x3;
	s23 =	simm.s32 $0x1  }
0x12: {  	s24 =	simm.s32 $0x3E80;
	s25 =	simm.s32 $0x3;
	[dreg:$0x4] =	wrdreg s26  }
0x13: {  	s11 =	sadd.s32 s5, s12;
	s12 =	sadd.s32 s6, s12;
	s13 =	sadd.s32 $0x1B8A00, s0  }
0x14: {  	s15 =	sadd.s32 s31, s6;
	s16 =	sadd.s32 s31, s5;
	s26 =	simm.s32 $0x2  }
.LBB2_1:
0x15: {  	s0 =	rddreg [dreg:$0x3]  }
0x16: {  	[spmem:s18], [sflag:s8] =	dma.local [hbm:s0], $0x1870  }
0x17: {  	_ =	swait.ge [sflag:s19], $0x1870  }
0x18: {  	[sflag:s19] =	ssyncset.done $0x0  }
0x19: {  	[sflag:s19] =	ssyncadd.s32 $0xFFFFE790  }
0x1a: {  	[bflag:$0x0] =	sbarrier.arrive $0xFFFF  }
0x1b: {  	s1 =	rddreg [dreg:$0x4]  }
0x1c: {  	[tilespmem:s3], [sflag:$0x1] =	stream.linear.gather [hbm4b:s1+s3], $0xFA0, $0x38;
	[tilespmem:$0x1FC00] =	vst v63  }
0x1d: {  	_ = 	snop  }
0x1e: {  	[tilespmem:s20], [sflag:$0x1] =	stream.linear.gather [hbm4b:s10+s3], $0xFA0, $0x38;
	[tilespmem:$0x1FC00] =	vst v63  }
0x1f: {  	_ = 	snop  }
0x20: {  	[tilespmem:s21], [sflag:$0x2] =	stream.linear.gather [hbm4b:s11+s3], $0xFA0, $0x38;
	[tilespmem:$0x1FC00] =	vst v63  }
0x21: {  	_ = 	snop  }
0x22: {  	[tilespmem:s22], [sflag:$0x2] =	stream.linear.gather [hbm4b:s12+s3], $0xFA0, $0x38;
	[tilespmem:$0x1FC00] =	vst v63  }
0x23: {  	_ =	swait.ge [sflag:s23], $0xFA0  }
0x24: {  	[sflag:s23] =	ssyncset.done $0x0  }
0x25: {  	[sflag:s23] =	ssyncadd.s32 $0xFFFFF060  }
0x26: {  	_ =	swait.ge [sflag:s23], $0xFA0  }
0x27: {  	[sflag:s23] =	ssyncset.done $0x0  }
0x28: {  	[sflag:s23] =	ssyncadd.s32 $0xFFFFF060  }
0x29: {  	[tilespmem:s24], [sflag:$0x3] =	stream.indirect.gather [hbm4b:s4+s21], $0x8, s3, s21, $0xb8;
	[tilespmem:$0x1FC00] =	vst v63  }
0x2a: {  	_ =	swait.ge [sflag:s25], $0x7D00  }
0x2b: {  	[sflag:s25] =	ssyncset.done $0x0  }
0x2c: {  	[sflag:s25] =	ssyncadd.s32 $0xFFFF8300  }
0x2d: {  	_ =	swait.ge [sflag:s26], $0xFA0  }
0x2e: {  	[sflag:s26] =	ssyncset.done $0x0  }
0x2f: {  	[sflag:s26] =	ssyncadd.s32 $0xFFFFF060  }
0x30: {  	_ =	swait.ge [sflag:s26], $0xFA0  }
0x31: {  	[sflag:s26] =	ssyncset.done $0x0  }
0x32: {  	[sflag:s26] =	ssyncadd.s32 $0xFFFFF060  }
0x33: {  	[tilespmem:s28], [sflag:$0x4] =	stream.indirect.gather [hbm4b:s4+s21], $0x8, s21, s21, $0xb8;
	[tilespmem:$0x1FC00] =	vst v63  }
0x34: {  	_ = 	snop  }
0x35: {  	[spmem:s2] =	stream.indirect.scatter.add.f32 [tilespmem:s24], [sflag:$0x5], $0x8, s20, s21, $0xb8;
	[tilespmem:$0x1FC00] =	vst v63  }
0x36: {  	_ =	swait.ge [sflag:s19], $0x7D00  }
0x37: {  	s7 =	sshrl.u32 s17, $0x3;
	[sflag:s19] =	ssyncset.done $0x0  }
0x38: {  	s1 =	sadd.s32 s5, s7;
	[sflag:s19] =	ssyncadd.s32 $0xFFFF8300  }
0x39: {  	[tilespmem:s3], [sflag:$0x1] =	stream.linear.gather [hbm4b:s1+s3], $0xFA0, $0x38;
	[tilespmem:$0x1FC00] =	vst v63  }
0x3a: {  	s0 =	sadd.s32 s6, s7  }
0x3b: {  	[tilespmem:s20], [sflag:$0x1] =	stream.linear.gather [hbm4b:s0+s3], $0xFA0, $0x38;
	[tilespmem:$0x1FC00] =	vst v63  }
0x3c: {  	_ =	swait.ge [sflag:s29], $0x7D00  }
0x3d: {  	[sflag:s29] =	ssyncset.done $0x0  }
0x3e: {  	[sflag:s29] =	ssyncadd.s32 $0xFFFF8300  }
0x3f: {  	_ =	swait.ge [sflag:s23], $0xFA0  }
0x40: {  	[sflag:s23] =	ssyncset.done $0x0  }
0x41: {  	[sflag:s23] =	ssyncadd.s32 $0xFFFFF060  }
0x42: {  	_ =	swait.ge [sflag:s23], $0xFA0  }
0x43: {  	[sflag:s23] =	ssyncset.done $0x0  }
0x44: {  	[sflag:s23] =	ssyncadd.s32 $0xFFFFF060  }
0x45: {  	[tilespmem:s24], [sflag:$0x3] =	stream.indirect.gather [hbm4b:s4+s21], $0x8, s3, s21, $0xb8;
	[tilespmem:$0x1FC00] =	vst v63  }
0x46: {  	_ = 	snop  }
0x47: {  	[spmem:s2] =	stream.indirect.scatter.add.f32 [tilespmem:s28], [sflag:$0x5], $0x8, s22, s21, $0xb8;
	[tilespmem:$0x1FC00] =	vst v63  }
0x48: {  	_ =	swait.ge [sflag:s19], $0x7D00  }
0x49: {  	s9 =	sadd.s32 $0x0, s16;
	s31 =	simm.s32 $0x3E8;
	[sflag:s19] =	ssyncset.done $0x0  }
0x4a: {  	s1 =	sadd.s32 $0x0, s15;
	s0 =	sadd.s32 $0x1F40, s17;
	[sflag:s19] =	ssyncadd.s32 $0xFFFF8300  }
0x4b: {  	[tilespmem:s21], [sflag:$0x2] =	stream.linear.gather [hbm4b:s9+s3], $0xFA0, $0x38;
	[tilespmem:$0x1FC00] =	vst v63  }
.LBB2_2:
0x4c: {  	[tilespmem:s22], [sflag:$0x2] =	stream.linear.gather [hbm4b:s1+s3], $0xFA0, $0x38;
	[tilespmem:$0x1FC00] =	vst v63  }
0x4d: {  	s1 =	smov.u32 s31  }
0x4e: {  	p0 =	sne.s32 s31, $0x59D8;
	s31 =	sadd.s32 $0x3E8, s31;
	_ =	swait.ge [sflag:s25], $0x7D00  }
0x4f: {  	[sflag:s25] =	ssyncset.done $0x0  }
0x50: {  	[sflag:s25] =	ssyncadd.s32 $0xFFFF8300  }
0x51: {  	_ =	swait.ge [sflag:s26], $0xFA0  }
0x52: {  	[sflag:s26] =	ssyncset.done $0x0  }
0x53: {  	[sflag:s26] =	ssyncadd.s32 $0xFFFFF060  }
0x54: {  	_ =	swait.ge [sflag:s26], $0xFA0  }
0x55: {  	[sflag:s26] =	ssyncset.done $0x0  }
0x56: {  	[sflag:s26] =	ssyncadd.s32 $0xFFFFF060  }
0x57: {  	[tilespmem:s28], [sflag:$0x4] =	stream.indirect.gather [hbm4b:s4+s21], $0x8, s21, s21, $0xb8;
	[tilespmem:$0x1FC00] =	vst v63  }
0x58: {  	_ = 	snop  }
0x59: {  	[spmem:s2] =	stream.indirect.scatter.add.f32 [tilespmem:s24], [sflag:$0x5], $0x8, s20, s21, $0xb8;
	[tilespmem:$0x1FC00] =	vst v63  }
0x5a: {  	_ =	swait.ge [sflag:s19], $0x7D00  }
0x5b: {  	s7 =	sshrl.u32 s0, $0x3;
	[sflag:s19] =	ssyncset.done $0x0  }
0x5c: {  	s9 =	sadd.s32 s5, s7;
	[sflag:s19] =	ssyncadd.s32 $0xFFFF8300  }
0x5d: {  	[tilespmem:s3], [sflag:$0x1] =	stream.linear.gather [hbm4b:s9+s3], $0xFA0, $0x38;
	[tilespmem:$0x1FC00] =	vst v63  }
0x5e: {  	s7 =	sadd.s32 s6, s7  }
0x5f: {  	[tilespmem:s20], [sflag:$0x1] =	stream.linear.gather [hbm4b:s7+s3], $0xFA0, $0x38;
	[tilespmem:$0x1FC00] =	vst v63  }
0x60: {  	_ =	swait.ge [sflag:s29], $0x7D00  }
0x61: {  	[sflag:s29] =	ssyncset.done $0x0  }
0x62: {  	[sflag:s29] =	ssyncadd.s32 $0xFFFF8300  }
0x63: {  	_ =	swait.ge [sflag:s23], $0xFA0  }
0x64: {  	[sflag:s23] =	ssyncset.done $0x0  }
0x65: {  	[sflag:s23] =	ssyncadd.s32 $0xFFFFF060  }
0x66: {  	_ =	swait.ge [sflag:s23], $0xFA0  }
0x67: {  	[sflag:s23] =	ssyncset.done $0x0  }
0x68: {  	[sflag:s23] =	ssyncadd.s32 $0xFFFFF060  }
0x69: {  	[tilespmem:s24], [sflag:$0x3] =	stream.indirect.gather [hbm4b:s4+s21], $0x8, s3, s21, $0xb8;
	[tilespmem:$0x1FC00] =	vst v63  }
0x6a: {  	_ = 	snop  }
0x6b: {  	[spmem:s2] =	stream.indirect.scatter.add.f32 [tilespmem:s28], [sflag:$0x5], $0x8, s22, s21, $0xb8;
	[tilespmem:$0x1FC00] =	vst v63  }
.Ltmp0:
0x6c: {  	_ =	swait.ge [sflag:s19], $0x7D00;
	(pc) =	sbr.rel @p0 .LBB2_2-.Ltmp0, $4  }
0x6d: {  	[sflag:s19] =	ssyncset.done $0x0  }
0x6e: {  	s7 =	sadd.s32 s1, s16;
	[sflag:s19] =	ssyncadd.s32 $0xFFFF8300  }
0x6f: {  	[tilespmem:s21], [sflag:$0x2] =	stream.linear.gather [hbm4b:s7+s3], $0xFA0, $0x38;
	[tilespmem:$0x1FC00] =	vst v63  }
0x70: {  	s0 =	sadd.s32 $0x1F40, s0;
	s1 =	sadd.s32 s1, s15  }
0x71: {  	[tilespmem:s22], [sflag:$0x2] =	stream.linear.gather [hbm4b:s1+s3], $0xFA0, $0x38;
	[tilespmem:$0x1FC00] =	vst v63  }
0x72: {  	_ =	swait.ge [sflag:s25], $0x7D00  }
0x73: {  	[sflag:s25] =	ssyncset.done $0x0  }
0x74: {  	[sflag:s25] =	ssyncadd.s32 $0xFFFF8300  }
0x75: {  	_ =	swait.ge [sflag:s26], $0xFA0  }
0x76: {  	[sflag:s26] =	ssyncset.done $0x0  }
0x77: {  	[sflag:s26] =	ssyncadd.s32 $0xFFFFF060  }
0x78: {  	_ =	swait.ge [sflag:s26], $0xFA0  }
0x79: {  	[sflag:s26] =	ssyncset.done $0x0  }
0x7a: {  	[sflag:s26] =	ssyncadd.s32 $0xFFFFF060  }
0x7b: {  	[tilespmem:s28], [sflag:$0x4] =	stream.indirect.gather [hbm4b:s4+s21], $0x8, s21, s21, $0xb8;
	[tilespmem:$0x1FC00] =	vst v63  }
0x7c: {  	_ = 	snop  }
0x7d: {  	[spmem:s2] =	stream.indirect.scatter.add.f32 [tilespmem:s24], [sflag:$0x5], $0x8, s20, s21, $0xb8;
	[tilespmem:$0x1FC00] =	vst v63  }
0x7e: {  	_ =	swait.ge [sflag:s19], $0x7D00  }
0x7f: {  	[sflag:s19] =	ssyncset.done $0x0  }
0x80: {  	[sflag:s19] =	ssyncadd.s32 $0xFFFF8300  }
0x81: {  	_ =	swait.ge [sflag:s29], $0x7D00  }
0x82: {  	[sflag:s29] =	ssyncset.done $0x0  }
0x83: {  	[sflag:s29] =	ssyncadd.s32 $0xFFFF8300  }
0x84: {  	[spmem:s2] =	stream.indirect.scatter.add.f32 [tilespmem:s28], [sflag:$0x5], $0x8, s22, s21, $0xb8;
	[tilespmem:$0x1FC00] =	vst v63  }
0x85: {  	_ =	swait.ge [sflag:s19], $0x7D00  }
0x86: {  	s30 =	sadd.s32 $0x1, s30;
	[sflag:s19] =	ssyncset.done $0x0  }
0x87: {  	p0 =	sne.s32 s30, s14;
	[sflag:s19] =	ssyncadd.s32 $0xFFFF8300  }
.Ltmp1:
0x88: {  	[bflag:$0x0] =	sbarrier.arrive $0xFFFF;
	(pc) =	sbr.rel @p0 .LBB2_1-.Ltmp1, $4  }
0x89: {  	[hbm:s13], [sflag:s8] =	dma.local [spmem:s18], $0x1870  }
0x8a: {  	_ =	swait.ge [sflag:s19], $0x1870  }
0x8b: {  	[sflag:s19] =	ssyncset.done $0x0  }
0x8c: {  	[sflag:s19] =	ssyncadd.s32 $0xFFFFE790  }
0x8d: {  	_ =	sfence.sel $0x180000  }
0x8e: {  	[bflag:$0x0] =	sbarrier.arrive $0xFFFF  }
0x8f: {  	_ =	strace $0x90000047  }
0x90: {  	s0 =	stileid.u32;
	[bflag:$0x2] =	sbarrier.arrive $0xFFFF  }
0x91: {  	p0 =	sne.s32 s0, $0x0;
	s0 =	rddreg [dreg:$0x2]  }
0x92: {  	s0 =	sadd.s32 @!p0 $0x100000, s0  }
0x93: {  	[sflag:s0] =	ssyncadd.tile.s32 @!p0 $0x1;
	_ =	shalt  }
.Lfunc_end2:
_tile_overlayer_lowered:
.L_overlay_start_2:
0x94: {  	(tag) =	ssettag $0x2  }
0x95: {  	s0 =	rddreg [dreg:$0x0];
	s2 =	stileid.u32  }
0x96: {  	s1 =	rddreg [dreg:$0x1];
	p0 =	sne.s32 s2, $0x0  }
0x97: {  	s3 =	rddreg [dreg:$0x2];
	[bflag:$0x3] =	sbarrier.arrive $0xFFFF;
	s2 =	simm.s32 @!p0 $0x1C05  }
0x98: {  	[timem:s3], [sflag:s2] =	dma.local @!p0 [hbm:s0], s1  }
0x99: {  	s0 =	simm.s32 @!p0 $0x5  }
0x9a: {  	_ =	swait.ge @!p0 [sflag:s0], s1  }
0x9b: {  	s1 =	ssub.s32 @!p0 $0x0, s1;
	[sflag:s0] =	ssyncset.done @!p0 $0x0  }
0x9c: {  	[sflag:s0] =	ssyncadd.s32 @!p0 s1  }
0x9d: {  	[bflag:$0x3] =	sbarrier.arrive $0xFFFF  }
0x9e: {  	_ =	shalt  }

</sc_bundles>
